<compile_context>
chip_gen: v7x
topology: tpu7x:2x2x1
jax: 0.10.2.dev20260603
libtpu: 0.0.44.dev20260713+nightly
codegen_flags: <defaults>
</compile_context>

<pallas_src>
import functools

import jax
import jax.numpy as jnp
from jax import lax
from jax.experimental import pallas as pl
from jax.experimental.pallas import tpu as pltpu
from jax.experimental.pallas import tpu_sc as plsc

N = 10000
E = 320000
IN_DIM = 128
CODE = 20
K = 10
D = 32
EPS = 1e-20

NC = 2
NS = 16
E_PER_SC = E // NC
E_PER_TILE = E_PER_SC // NS
CHUNK = 80
NCH = E_PER_TILE // CHUNK
NBUF = 12
LOOKAHEAD = 8
ROWS_A = 624
ROWS_LAST = N - 15 * ROWS_A

_f32 = jnp.float32


_DN = (((1,), (1,)), ((), ()))


def _gum_body(u_ref, g_ref):
    g_ref[...] = -jnp.log(-jnp.log(u_ref[...] + _f32(EPS)))


def _gum(u):
    blk = 2000
    return pl.pallas_call(
        _gum_body,
        grid=(N // blk,),
        in_specs=[pl.BlockSpec((blk, CODE), lambda i: (i, 0))],
        out_specs=pl.BlockSpec((blk, CODE), lambda i: (i, 0)),
        out_shape=jax.ShapeDtypeStruct((N, CODE), _f32),
    )(u)


def _proj_body(x_ref, wl_ref, wr_ref, p_ref, r_ref):
    xb = x_ref[...]
    p = lax.dot_general(xb, wl_ref[...], _DN, preferred_element_type=_f32)
    blk = p.shape[0]
    p_ref[...] = jnp.concatenate(
        [p, jnp.ones((blk, 1), _f32), jnp.zeros((blk, D - CODE - 1), _f32)],
        axis=1)
    r_ref[...] = lax.dot_general(xb, wr_ref[...], _DN,
                                 preferred_element_type=_f32)


def _proj(x, wl, wr):
    blk = 1000
    return pl.pallas_call(
        _proj_body,
        grid=(N // blk,),
        in_specs=[
            pl.BlockSpec((blk, IN_DIM), lambda i: (i, 0)),
            pl.BlockSpec((CODE, IN_DIM), lambda i: (0, 0)),
            pl.BlockSpec((CODE, IN_DIM), lambda i: (0, 0)),
        ],
        out_specs=[
            pl.BlockSpec((blk, D), lambda i: (i, 0)),
            pl.BlockSpec((blk, CODE), lambda i: (i, 0)),
        ],
        out_shape=[
            jax.ShapeDtypeStruct((N, D), _f32),
            jax.ShapeDtypeStruct((N, CODE), _f32),
        ],
    )(x, wl, wr)


def _segsum_body(vals_hbm, idx_hbm, zeros_hbm, out_hbm,
                 srcs_v, dsts_v, rows_v, acc_sh, gsem, ssem, isem):
    cid = lax.axis_index("c")
    sid = lax.axis_index("s")
    tid = cid * NS + sid
    row0 = pl.multiple_of(sid * ROWS_A, 8)

    e0 = tid * E_PER_TILE
    isrc = pltpu.async_copy(idx_hbm.at[0, pl.ds(e0, E_PER_TILE)], srcs_v,
                            isem.at[0])
    idst = pltpu.async_copy(idx_hbm.at[1, pl.ds(e0, E_PER_TILE)], dsts_v,
                            isem.at[1])
    isrc.wait()

    for k in range(LOOKAHEAD):
        pltpu.async_copy(vals_hbm.at[srcs_v.at[pl.ds(k * CHUNK, CHUNK)]],
                         rows_v.at[k], gsem.at[k])

    @pl.when(sid < NS - 1)
    def _():
        pltpu.sync_copy(zeros_hbm.at[pl.ds(row0, ROWS_A)],
                        acc_sh.at[pl.ds(row0, ROWS_A)])

    @pl.when(sid == NS - 1)
    def _():
        pltpu.sync_copy(zeros_hbm.at[pl.ds((NS - 1) * ROWS_A, ROWS_LAST)],
                        acc_sh.at[pl.ds((NS - 1) * ROWS_A, ROWS_LAST)])

    idst.wait()
    plsc.subcore_barrier()

    def _src(j):
        return srcs_v.at[pl.ds(j * CHUNK, CHUNK)]

    def _dst(j):
        return dsts_v.at[pl.ds(j * CHUNK, CHUNK)]

    def body(j, carry):
        b = lax.rem(j, NBUF)
        pltpu.make_async_copy(vals_hbm.at[_src(j)], rows_v.at[b],
                              gsem.at[b]).wait()
        pltpu.async_copy(rows_v.at[b], acc_sh.at[_dst(j)],
                         ssem.at[b], add=True)
        t = j + LOOKAHEAD
        tb = lax.rem(t, NBUF)

        @pl.when(jnp.logical_and(t >= NBUF, t < NCH))
        def _():
            pltpu.make_async_copy(rows_v.at[tb],
                                  acc_sh.at[_dst(t - NBUF)],
                                  ssem.at[tb]).wait()

        @pl.when(t < NCH)
        def _():
            pltpu.async_copy(vals_hbm.at[_src(t)], rows_v.at[tb],
                             gsem.at[tb])

        return carry

    lax.fori_loop(0, NCH, body, 0)
    for t in range(NCH - NBUF, NCH):
        pltpu.make_async_copy(rows_v.at[t % NBUF],
                              acc_sh.at[_dst(t)],
                              ssem.at[t % NBUF]).wait()
    plsc.subcore_barrier()

    @pl.when(sid < NS - 1)
    def _():
        pltpu.sync_copy(acc_sh.at[pl.ds(row0, ROWS_A)],
                        out_hbm.at[cid, pl.ds(row0, ROWS_A)])

    @pl.when(sid == NS - 1)
    def _():
        pltpu.sync_copy(acc_sh.at[pl.ds((NS - 1) * ROWS_A, ROWS_LAST)],
                        out_hbm.at[cid, pl.ds((NS - 1) * ROWS_A, ROWS_LAST)])


@functools.lru_cache(maxsize=1)
def _get_segsum():
    mesh = plsc.VectorSubcoreMesh(
        core_axis_name="c", subcore_axis_name="s",
        num_cores=NC, num_subcores=NS)
    return pl.kernel(
        _segsum_body,
        out_type=jax.ShapeDtypeStruct((NC, N, D), _f32),
        mesh=mesh,
        compiler_params=pltpu.CompilerParams(use_tc_tiling_on_sc=False),
        scratch_types=[
            pltpu.VMEM((E_PER_TILE,), jnp.int32),
            pltpu.VMEM((E_PER_TILE,), jnp.int32),
            pltpu.VMEM((NBUF, CHUNK, D), _f32),
            pltpu.VMEM_SHARED((N, D), _f32),
            pltpu.SemaphoreType.DMA((NBUF,)),
            pltpu.SemaphoreType.DMA((NBUF,)),
            pltpu.SemaphoreType.DMA((2,)),
        ],
    )


def _segsum(vals, idx, zeros):
    return _get_segsum()(vals, idx, zeros)


def _code_body(acc_ref, r_ref, bl_ref, u_ref, y_ref):
    acc = acc_ref[0] + acc_ref[1]
    deg = acc[:, CODE:CODE + 1]
    invdeg = _f32(1.0) / jnp.maximum(deg, _f32(1.0))
    h = acc[:, :CODE] * invdeg + bl_ref[...] + r_ref[...]
    z = h + u_ref[...]
    z0 = z[:, :K]
    z1 = z[:, K:]
    e0 = jnp.exp(z0 - jnp.max(z0, axis=1, keepdims=True))
    e1 = jnp.exp(z1 - jnp.max(z1, axis=1, keepdims=True))
    y0 = e0 / jnp.sum(e0, axis=1, keepdims=True)
    y1 = e1 / jnp.sum(e1, axis=1, keepdims=True)
    pad = jnp.zeros((z.shape[0], D - CODE - 1), _f32)
    y_ref[...] = jnp.concatenate([y0, y1, invdeg, pad], axis=1)


def _code(acc1, r, bl1, u):
    blk = 2000
    return pl.pallas_call(
        _code_body,
        grid=(N // blk,),
        in_specs=[
            pl.BlockSpec((NC, blk, D), lambda i: (0, i, 0)),
            pl.BlockSpec((blk, CODE), lambda i: (i, 0)),
            pl.BlockSpec((1, CODE), lambda i: (0, 0)),
            pl.BlockSpec((blk, CODE), lambda i: (i, 0)),
        ],
        out_specs=pl.BlockSpec((blk, D), lambda i: (i, 0)),
        out_shape=jax.ShapeDtypeStruct((N, D), _f32),
    )(acc1, r, bl1, u)


def _dec_body(acc_ref, y_ref, wl_ref, wr_ref, bl_ref, out_ref):
    acc = acc_ref[0] + acc_ref[1]
    ypad = y_ref[...]
    invdeg = ypad[:, CODE:CODE + 1]
    mean2 = acc[:, :CODE] * invdeg
    out_ref[...] = (lax.dot_general(mean2, wl_ref[...], _DN,
                                    preferred_element_type=_f32)
                    + lax.dot_general(ypad[:, :CODE], wr_ref[...], _DN,
                                      preferred_element_type=_f32)
                    + bl_ref[...])


def _dec(acc2, y_pad, wl2, wr2, bl2):
    blk = 2000
    return pl.pallas_call(
        _dec_body,
        grid=(N // blk,),
        in_specs=[
            pl.BlockSpec((NC, blk, D), lambda i: (0, i, 0)),
            pl.BlockSpec((blk, D), lambda i: (i, 0)),
            pl.BlockSpec((IN_DIM, CODE), lambda i: (0, 0)),
            pl.BlockSpec((IN_DIM, CODE), lambda i: (0, 0)),
            pl.BlockSpec((1, IN_DIM), lambda i: (0, 0)),
        ],
        out_specs=pl.BlockSpec((blk, IN_DIM), lambda i: (i, 0)),
        out_shape=jax.ShapeDtypeStruct((N, IN_DIM), _f32),
    )(acc2, y_pad, wl2, wr2, bl2)


def kernel(x, edge_index, Wl1, bl1, Wr1, Wl2, bl2, Wr2):
    idx = edge_index.astype(jnp.int32)

    p_pad, r = _proj(x, Wl1, Wr1)

    zeros = jnp.zeros((N, D), _f32)
    acc1 = _segsum(p_pad, idx, zeros)

    u = jax.random.uniform(jax.random.key(123), (N, 2, K),
                           dtype=_f32).reshape(N, CODE)
    g = _gum(u)
    y_pad = _code(acc1, r, bl1.reshape(1, CODE), g)

    acc2 = _segsum(y_pad, idx, zeros)

    return _dec(acc2, y_pad, Wl2, Wr2, bl2.reshape(1, IN_DIM))

# --- scband reference (transcript-rebuilt; emitter-appended) ---
"""Pipeline reference for scband-ssl-base-13589276524808 (READ-ONLY COPY).

The authoritative reference and input builder live on the scoring server;
editing this copy changes nothing except your own understanding.
"""

import jax, jax.numpy as jnp
import numpy as np

N_NODES = 10000
N_EDGES = 320000
IN_DIM = 128
K = 10
NCAT = 2
CODE = K * NCAT  # 20
TEMP = 1.0
EPS = 1e-20


def setup_inputs(seed: int = 0) -> dict:
    key = jax.random.key(seed)
    ks = jax.random.split(key, 8)
    x = jax.random.normal(ks[0], (N_NODES, IN_DIM), dtype=jnp.float32)
    edge_index = jax.random.randint(ks[1], (2, N_EDGES), 0, N_NODES, dtype=jnp.int64)
    # encoder SAGEConv(in=128, out=20): lin_l (with bias) on aggregated neighbors, lin_r (no bias) on root
    Wl1 = jax.random.normal(ks[2], (CODE, IN_DIM), dtype=jnp.float32) * 0.05
    bl1 = jnp.zeros((CODE,), dtype=jnp.float32)
    Wr1 = jax.random.normal(ks[3], (CODE, IN_DIM), dtype=jnp.float32) * 0.05
    # decoder SAGEConv(in=20, out=128)
    Wl2 = jax.random.normal(ks[4], (IN_DIM, CODE), dtype=jnp.float32) * 0.05
    bl2 = jnp.zeros((IN_DIM,), dtype=jnp.float32)
    Wr2 = jax.random.normal(ks[5], (IN_DIM, CODE), dtype=jnp.float32) * 0.05
    return {"x": x, "edge_index": edge_index, "Wl1": Wl1, "bl1": bl1, "Wr1": Wr1,
            "Wl2": Wl2, "bl2": bl2, "Wr2": Wr2}


def _sage_conv(x, edge_index, Wl, bl, Wr):
    src = edge_index[0]
    dst = edge_index[1]
    msgs = jnp.take(x, src, axis=0)                      # gather source features
    agg = jax.ops.segment_sum(msgs, dst, num_segments=x.shape[0])  # scatter-add by dst
    deg = jax.ops.segment_sum(jnp.ones((msgs.shape[0],), dtype=x.dtype), dst,
                              num_segments=x.shape[0])
    mean = agg / jnp.clip(deg, 1.0, None)[:, None]       # mean aggregation
    return mean @ Wl.T + bl + x @ Wr.T


def _gumbel_softmax(logp, temperature, key):
    u = jax.random.uniform(key, logp.shape, dtype=logp.dtype)
    g = -jnp.log(-jnp.log(u + EPS))
    h = (g + logp) / temperature
    h = h - jnp.max(h, axis=-1, keepdims=True)
    cache = jnp.exp(h)
    return cache / jnp.sum(cache, axis=-1, keepdims=True)


def reference(x, edge_index, Wl1, bl1, Wr1, Wl2, bl2, Wr2):
    # encoder (1-layer GraphSAGE)
    h = _sage_conv(x, edge_index, Wl1, bl1, Wr1)          # [N, 20]
    # categorical reparameterization
    logp = jax.nn.log_softmax(h.reshape(-1, NCAT, K), axis=-1)
    y = _gumbel_softmax(logp, TEMP, jax.random.key(123))
    y = y.reshape(-1, NCAT * K)
    # decoder (1-layer GraphSAGE) reconstructs attributes
    x_rec = _sage_conv(y, edge_index, Wl2, bl2, Wr2)      # [N, 128]
    return x_rec

if __name__ == "__main__":
    import jax
    _d = setup_inputs()
    print(jax.jit(kernel)(*tuple(_d.values())))

</pallas_src>

<mosaic_0001>
#map = affine_map<(d0, d1) -> (0, 0)>
#map1 = affine_map<(d0, d1) -> (0, 0, 0)>
module attributes {stable_mosaic.version = 14 : i64} {
  func.func @_segsum_body(%arg0: i32, %arg1: i32, %arg2: memref<10000x32xf32, #tpu.memory_space<hbm>>, %arg3: memref<2x320000xi32, #tpu.memory_space<hbm>>, %arg4: memref<10000x32xf32, #tpu.memory_space<hbm>>, %arg5: memref<2x10000x32xf32, #tpu.memory_space<hbm>>, %arg6: memref<10000xi32, #tpu.memory_space<vmem>>, %arg7: memref<10000xi32, #tpu.memory_space<vmem>>, %arg8: memref<12x80x32xf32, #tpu.memory_space<vmem>>, %arg9: memref<10000x32xf32, #tpu.memory_space<vmem_shared>>, %arg10: memref<12x!tpu.dma_semaphore, #tpu.memory_space<semaphore_mem>>, %arg11: memref<12x!tpu.dma_semaphore, #tpu.memory_space<semaphore_mem>>, %arg12: memref<2x!tpu.dma_semaphore, #tpu.memory_space<semaphore_mem>>) attributes {dimension_semantics = [#tpu.dimension_semantics<core_parallel>, #tpu.dimension_semantics<subcore_parallel>], iteration_bounds = array<i64: 2, 16>, scalar_prefetch = 0 : i64, scratch_operands = 7 : i64, tpu.core_type = #tpu.core_type<sc_vector_subcore>, window_params = [{transform_indices = #map}, {transform_indices = #map}, {transform_indices = #map}, {transform_indices = #map1}]} {
    %mul3A = arith.constant 16 : i32
    %mul3A_0 = arith.muli %arg0, %mul3A : i32
    %add3A = arith.addi %mul3A_0, %arg1 : i32
    %mul3A_1 = arith.constant 624 : i32
    %mul3A_2 = arith.muli %arg1, %mul3A_1 : i32
    %multiple_of3A = tpu.assume_multiple %mul3A_2, 8 : i32
    %mul3A_3 = arith.constant 10000 : i32
    %mul3A_4 = arith.muli %add3A, %mul3A_3 : i32
    %dma_start3A = arith.constant 0 : i32
    %dma_start3A_5 = arith.constant 0 : i32
    %dma_start3A_6 = tpu.memref_slice %arg3[%dma_start3A, %mul3A_4] : memref<2x320000xi32, #tpu.memory_space<hbm>> -> memref<1x10000xi32, #tpu.memory_space<hbm>>
    %dma_start3A_7 = tpu.memref_squeeze %dma_start3A_6 : memref<1x10000xi32, #tpu.memory_space<hbm>> -> memref<10000xi32, #tpu.memory_space<hbm>>
    %dma_start3A_8 = tpu.memref_slice %arg12[%dma_start3A_5] : memref<2x!tpu.dma_semaphore, #tpu.memory_space<semaphore_mem>> -> memref<1x!tpu.dma_semaphore, #tpu.memory_space<semaphore_mem>>
    %dma_start3A_9 = tpu.memref_squeeze %dma_start3A_8 : memref<1x!tpu.dma_semaphore, #tpu.memory_space<semaphore_mem>> -> memref<!tpu.dma_semaphore, #tpu.memory_space<semaphore_mem>>
    %dma_start3A_10 = tpu.memref_slice %arg3[%dma_start3A, %mul3A_4] : memref<2x320000xi32, #tpu.memory_space<hbm>> -> memref<1x10000xi32, #tpu.memory_space<hbm>>
    %dma_start3A_11 = tpu.memref_squeeze %dma_start3A_10 : memref<1x10000xi32, #tpu.memory_space<hbm>> -> memref<10000xi32, #tpu.memory_space<hbm>>
    tpu.enqueue_dma source(%dma_start3A_11 : memref<10000xi32, #tpu.memory_space<hbm>>) target(%arg6 : memref<10000xi32, #tpu.memory_space<vmem>>) target_semaphore(%dma_start3A_9 : memref<!tpu.dma_semaphore, #tpu.memory_space<semaphore_mem>>)
    %dma_start3A_12 = arith.constant 1 : i32
    %dma_start3A_13 = arith.constant 1 : i32
    %dma_start3A_14 = tpu.memref_slice %arg3[%dma_start3A_12, %mul3A_4] : memref<2x320000xi32, #tpu.memory_space<hbm>> -> memref<1x10000xi32, #tpu.memory_space<hbm>>
    %dma_start3A_15 = tpu.memref_squeeze %dma_start3A_14 : memref<1x10000xi32, #tpu.memory_space<hbm>> -> memref<10000xi32, #tpu.memory_space<hbm>>
    %dma_start3A_16 = tpu.memref_slice %arg12[%dma_start3A_13] : memref<2x!tpu.dma_semaphore, #tpu.memory_space<semaphore_mem>> -> memref<1x!tpu.dma_semaphore, #tpu.memory_space<semaphore_mem>>
    %dma_start3A_17 = tpu.memref_squeeze %dma_start3A_16 : memref<1x!tpu.dma_semaphore, #tpu.memory_space<semaphore_mem>> -> memref<!tpu.dma_semaphore, #tpu.memory_space<semaphore_mem>>
    %dma_start3A_18 = tpu.memref_slice %arg3[%dma_start3A_12, %mul3A_4] : memref<2x320000xi32, #tpu.memory_space<hbm>> -> memref<1x10000xi32, #tpu.memory_space<hbm>>
    %dma_start3A_19 = tpu.memref_squeeze %dma_start3A_18 : memref<1x10000xi32, #tpu.memory_space<hbm>> -> memref<10000xi32, #tpu.memory_space<hbm>>
    tpu.enqueue_dma source(%dma_start3A_19 : memref<10000xi32, #tpu.memory_space<hbm>>) target(%arg7 : memref<10000xi32, #tpu.memory_space<vmem>>) target_semaphore(%dma_start3A_17 : memref<!tpu.dma_semaphore, #tpu.memory_space<semaphore_mem>>)
    %dma_wait3A = arith.constant 0 : i32
    %dma_wait3A_20 = arith.constant 0 : i32
    %dma_wait3A_21 = tpu.memref_slice %arg3[%dma_wait3A, %mul3A_4] : memref<2x320000xi32, #tpu.memory_space<hbm>> -> memref<1x10000xi32, #tpu.memory_space<hbm>>
    %dma_wait3A_22 = tpu.memref_squeeze %dma_wait3A_21 : memref<1x10000xi32, #tpu.memory_space<hbm>> -> memref<10000xi32, #tpu.memory_space<hbm>>
    %dma_wait3A_23 = tpu.memref_slice %arg12[%dma_wait3A_20] : memref<2x!tpu.dma_semaphore, #tpu.memory_space<semaphore_mem>> -> memref<1x!tpu.dma_semaphore, #tpu.memory_space<semaphore_mem>>
    %dma_wait3A_24 = tpu.memref_squeeze %dma_wait3A_23 : memref<1x!tpu.dma_semaphore, #tpu.memory_space<semaphore_mem>> -> memref<!tpu.dma_semaphore, #tpu.memory_space<semaphore_mem>>
    %dma_wait3A_25 = tpu.memref_slice %arg3[%dma_wait3A, %mul3A_4] : memref<2x320000xi32, #tpu.memory_space<hbm>> -> memref<1x10000xi32, #tpu.memory_space<hbm>>
    %dma_wait3A_26 = tpu.memref_squeeze %dma_wait3A_25 : memref<1x10000xi32, #tpu.memory_space<hbm>> -> memref<10000xi32, #tpu.memory_space<hbm>>
    tpu.wait_dma2 semaphore(%dma_wait3A_24 : memref<!tpu.dma_semaphore, #tpu.memory_space<semaphore_mem>>) src(%dma_wait3A_26 : memref<10000xi32, #tpu.memory_space<hbm>>) dst(%arg6 : memref<10000xi32, #tpu.memory_space<vmem>>)
    %dma_start3A_27 = arith.constant 0 : i32
    %dma_start3A_28 = arith.constant 0 : i32
    %dma_start3A_29 = arith.constant 0 : i32
    %dma_start3A_30 = arith.constant 0 : i32
    %dma_start3A_31 = tpu.memref_slice %arg8[%dma_start3A_27, %dma_start3A_29, %dma_start3A_30] : memref<12x80x32xf32, #tpu.memory_space<vmem>> -> memref<1x80x32xf32, #tpu.memory_space<vmem>>
    %dma_start3A_32 = tpu.memref_squeeze %dma_start3A_31 : memref<1x80x32xf32, #tpu.memory_space<vmem>> -> memref<80x32xf32, #tpu.memory_space<vmem>>
    %dma_start3A_33 = arith.constant 0 : i32
    %dma_start3A_34 = tpu.memref_slice %arg6[%dma_start3A_33] : memref<10000xi32, #tpu.memory_space<vmem>> -> memref<80xi32, #tpu.memory_space<vmem>>
    %dma_start3A_35 = arith.constant 0 : i32
    %dma_start3A_36 = arith.constant 0 : i32
    %dma_start3A_37 = tpu.memref_slice %arg2[%dma_start3A_35, %dma_start3A_36] : memref<10000x32xf32, #tpu.memory_space<hbm>> -> memref<10000x32xf32, #tpu.memory_space<hbm>>
    %dma_start3A_38 = tpu.memref_slice %arg10[%dma_start3A_28] : memref<12x!tpu.dma_semaphore, #tpu.memory_space<semaphore_mem>> -> memref<1x!tpu.dma_semaphore, #tpu.memory_space<semaphore_mem>>
    %dma_start3A_39 = tpu.memref_squeeze %dma_start3A_38 : memref<1x!tpu.dma_semaphore, #tpu.memory_space<semaphore_mem>> -> memref<!tpu.dma_semaphore, #tpu.memory_space<semaphore_mem>>
    tpu.enqueue_indirect_dma source(%dma_start3A_37 : memref<10000x32xf32, #tpu.memory_space<hbm>>) target(%dma_start3A_32 : memref<80x32xf32, #tpu.memory_space<vmem>>) offsets(%dma_start3A_34 : memref<80xi32, #tpu.memory_space<vmem>>) semaphore(%dma_start3A_39 : memref<!tpu.dma_semaphore, #tpu.memory_space<semaphore_mem>>)
    %dma_start3A_40 = arith.constant 1 : i32
    %dma_start3A_41 = arith.constant 1 : i32
    %dma_start3A_42 = arith.constant 0 : i32
    %dma_start3A_43 = arith.constant 0 : i32
    %dma_start3A_44 = tpu.memref_slice %arg8[%dma_start3A_40, %dma_start3A_42, %dma_start3A_43] : memref<12x80x32xf32, #tpu.memory_space<vmem>> -> memref<1x80x32xf32, #tpu.memory_space<vmem>>
    %dma_start3A_45 = tpu.memref_squeeze %dma_start3A_44 : memref<1x80x32xf32, #tpu.memory_space<vmem>> -> memref<80x32xf32, #tpu.memory_space<vmem>>
    %dma_start3A_46 = arith.constant 80 : i32
    %dma_start3A_47 = tpu.memref_slice %arg6[%dma_start3A_46] : memref<10000xi32, #tpu.memory_space<vmem>> -> memref<80xi32, #tpu.memory_space<vmem>>
    %dma_start3A_48 = arith.constant 0 : i32
    %dma_start3A_49 = arith.constant 0 : i32
    %dma_start3A_50 = tpu.memref_slice %arg2[%dma_start3A_48, %dma_start3A_49] : memref<10000x32xf32, #tpu.memory_space<hbm>> -> memref<10000x32xf32, #tpu.memory_space<hbm>>
    %dma_start3A_51 = tpu.memref_slice %arg10[%dma_start3A_41] : memref<12x!tpu.dma_semaphore, #tpu.memory_space<semaphore_mem>> -> memref<1x!tpu.dma_semaphore, #tpu.memory_space<semaphore_mem>>
    %dma_start3A_52 = tpu.memref_squeeze %dma_start3A_51 : memref<1x!tpu.dma_semaphore, #tpu.memory_space<semaphore_mem>> -> memref<!tpu.dma_semaphore, #tpu.memory_space<semaphore_mem>>
    tpu.enqueue_indirect_dma source(%dma_start3A_50 : memref<10000x32xf32, #tpu.memory_space<hbm>>) target(%dma_start3A_45 : memref<80x32xf32, #tpu.memory_space<vmem>>) offsets(%dma_start3A_47 : memref<80xi32, #tpu.memory_space<vmem>>) semaphore(%dma_start3A_52 : memref<!tpu.dma_semaphore, #tpu.memory_space<semaphore_mem>>)
    %dma_start3A_53 = arith.constant 2 : i32
    %dma_start3A_54 = arith.constant 2 : i32
    %dma_start3A_55 = arith.constant 0 : i32
    %dma_start3A_56 = arith.constant 0 : i32
    %dma_start3A_57 = tpu.memref_slice %arg8[%dma_start3A_53, %dma_start3A_55, %dma_start3A_56] : memref<12x80x32xf32, #tpu.memory_space<vmem>> -> memref<1x80x32xf32, #tpu.memory_space<vmem>>
    %dma_start3A_58 = tpu.memref_squeeze %dma_start3A_57 : memref<1x80x32xf32, #tpu.memory_space<vmem>> -> memref<80x32xf32, #tpu.memory_space<vmem>>
    %dma_start3A_59 = arith.constant 160 : i32
    %dma_start3A_60 = tpu.memref_slice %arg6[%dma_start3A_59] : memref<10000xi32, #tpu.memory_space<vmem>> -> memref<80xi32, #tpu.memory_space<vmem>>
    %dma_start3A_61 = arith.constant 0 : i32
    %dma_start3A_62 = arith.constant 0 : i32
    %dma_start3A_63 = tpu.memref_slice %arg2[%dma_start3A_61, %dma_start3A_62] : memref<10000x32xf32, #tpu.memory_space<hbm>> -> memref<10000x32xf32, #tpu.memory_space<hbm>>
    %dma_start3A_64 = tpu.memref_slice %arg10[%dma_start3A_54] : memref<12x!tpu.dma_semaphore, #tpu.memory_space<semaphore_mem>> -> memref<1x!tpu.dma_semaphore, #tpu.memory_space<semaphore_mem>>
    %dma_start3A_65 = tpu.memref_squeeze %dma_start3A_64 : memref<1x!tpu.dma_semaphore, #tpu.memory_space<semaphore_mem>> -> memref<!tpu.dma_semaphore, #tpu.memory_space<semaphore_mem>>
    tpu.enqueue_indirect_dma source(%dma_start3A_63 : memref<10000x32xf32, #tpu.memory_space<hbm>>) target(%dma_start3A_58 : memref<80x32xf32, #tpu.memory_space<vmem>>) offsets(%dma_start3A_60 : memref<80xi32, #tpu.memory_space<vmem>>) semaphore(%dma_start3A_65 : memref<!tpu.dma_semaphore, #tpu.memory_space<semaphore_mem>>)
    %dma_start3A_66 = arith.constant 3 : i32
    %dma_start3A_67 = arith.constant 3 : i32
    %dma_start3A_68 = arith.constant 0 : i32
    %dma_start3A_69 = arith.constant 0 : i32
    %dma_start3A_70 = tpu.memref_slice %arg8[%dma_start3A_66, %dma_start3A_68, %dma_start3A_69] : memref<12x80x32xf32, #tpu.memory_space<vmem>> -> memref<1x80x32xf32, #tpu.memory_space<vmem>>
    %dma_start3A_71 = tpu.memref_squeeze %dma_start3A_70 : memref<1x80x32xf32, #tpu.memory_space<vmem>> -> memref<80x32xf32, #tpu.memory_space<vmem>>
    %dma_start3A_72 = arith.constant 240 : i32
    %dma_start3A_73 = tpu.memref_slice %arg6[%dma_start3A_72] : memref<10000xi32, #tpu.memory_space<vmem>> -> memref<80xi32, #tpu.memory_space<vmem>>
    %dma_start3A_74 = arith.constant 0 : i32
    %dma_start3A_75 = arith.constant 0 : i32
    %dma_start3A_76 = tpu.memref_slice %arg2[%dma_start3A_74, %dma_start3A_75] : memref<10000x32xf32, #tpu.memory_space<hbm>> -> memref<10000x32xf32, #tpu.memory_space<hbm>>
    %dma_start3A_77 = tpu.memref_slice %arg10[%dma_start3A_67] : memref<12x!tpu.dma_semaphore, #tpu.memory_space<semaphore_mem>> -> memref<1x!tpu.dma_semaphore, #tpu.memory_space<semaphore_mem>>
    %dma_start3A_78 = tpu.memref_squeeze %dma_start3A_77 : memref<1x!tpu.dma_semaphore, #tpu.memory_space<semaphore_mem>> -> memref<!tpu.dma_semaphore, #tpu.memory_space<semaphore_mem>>
    tpu.enqueue_indirect_dma source(%dma_start3A_76 : memref<10000x32xf32, #tpu.memory_space<hbm>>) target(%dma_start3A_71 : memref<80x32xf32, #tpu.memory_space<vmem>>) offsets(%dma_start3A_73 : memref<80xi32, #tpu.memory_space<vmem>>) semaphore(%dma_start3A_78 : memref<!tpu.dma_semaphore, #tpu.memory_space<semaphore_mem>>)
    %dma_start3A_79 = arith.constant 4 : i32
    %dma_start3A_80 = arith.constant 4 : i32
    %dma_start3A_81 = arith.constant 0 : i32
    %dma_start3A_82 = arith.constant 0 : i32
    %dma_start3A_83 = tpu.memref_slice %arg8[%dma_start3A_79, %dma_start3A_81, %dma_start3A_82] : memref<12x80x32xf32, #tpu.memory_space<vmem>> -> memref<1x80x32xf32, #tpu.memory_space<vmem>>
    %dma_start3A_84 = tpu.memref_squeeze %dma_start3A_83 : memref<1x80x32xf32, #tpu.memory_space<vmem>> -> memref<80x32xf32, #tpu.memory_space<vmem>>
    %dma_start3A_85 = arith.constant 320 : i32
    %dma_start3A_86 = tpu.memref_slice %arg6[%dma_start3A_85] : memref<10000xi32, #tpu.memory_space<vmem>> -> memref<80xi32, #tpu.memory_space<vmem>>
    %dma_start3A_87 = arith.constant 0 : i32
    %dma_start3A_88 = arith.constant 0 : i32
    %dma_start3A_89 = tpu.memref_slice %arg2[%dma_start3A_87, %dma_start3A_88] : memref<10000x32xf32, #tpu.memory_space<hbm>> -> memref<10000x32xf32, #tpu.memory_space<hbm>>
    %dma_start3A_90 = tpu.memref_slice %arg10[%dma_start3A_80] : memref<12x!tpu.dma_semaphore, #tpu.memory_space<semaphore_mem>> -> memref<1x!tpu.dma_semaphore, #tpu.memory_space<semaphore_mem>>
    %dma_start3A_91 = tpu.memref_squeeze %dma_start3A_90 : memref<1x!tpu.dma_semaphore, #tpu.memory_space<semaphore_mem>> -> memref<!tpu.dma_semaphore, #tpu.memory_space<semaphore_mem>>
    tpu.enqueue_indirect_dma source(%dma_start3A_89 : memref<10000x32xf32, #tpu.memory_space<hbm>>) target(%dma_start3A_84 : memref<80x32xf32, #tpu.memory_space<vmem>>) offsets(%dma_start3A_86 : memref<80xi32, #tpu.memory_space<vmem>>) semaphore(%dma_start3A_91 : memref<!tpu.dma_semaphore, #tpu.memory_space<semaphore_mem>>)
    %dma_start3A_92 = arith.constant 5 : i32
    %dma_start3A_93 = arith.constant 5 : i32
    %dma_start3A_94 = arith.constant 0 : i32
    %dma_start3A_95 = arith.constant 0 : i32
    %dma_start3A_96 = tpu.memref_slice %arg8[%dma_start3A_92, %dma_start3A_94, %dma_start3A_95] : memref<12x80x32xf32, #tpu.memory_space<vmem>> -> memref<1x80x32xf32, #tpu.memory_space<vmem>>
    %dma_start3A_97 = tpu.memref_squeeze %dma_start3A_96 : memref<1x80x32xf32, #tpu.memory_space<vmem>> -> memref<80x32xf32, #tpu.memory_space<vmem>>
    %dma_start3A_98 = arith.constant 400 : i32
    %dma_start3A_99 = tpu.memref_slice %arg6[%dma_start3A_98] : memref<10000xi32, #tpu.memory_space<vmem>> -> memref<80xi32, #tpu.memory_space<vmem>>
    %dma_start3A_100 = arith.constant 0 : i32
    %dma_start3A_101 = arith.constant 0 : i32
    %dma_start3A_102 = tpu.memref_slice %arg2[%dma_start3A_100, %dma_start3A_101] : memref<10000x32xf32, #tpu.memory_space<hbm>> -> memref<10000x32xf32, #tpu.memory_space<hbm>>
    %dma_start3A_103 = tpu.memref_slice %arg10[%dma_start3A_93] : memref<12x!tpu.dma_semaphore, #tpu.memory_space<semaphore_mem>> -> memref<1x!tpu.dma_semaphore, #tpu.memory_space<semaphore_mem>>
    %dma_start3A_104 = tpu.memref_squeeze %dma_start3A_103 : memref<1x!tpu.dma_semaphore, #tpu.memory_space<semaphore_mem>> -> memref<!tpu.dma_semaphore, #tpu.memory_space<semaphore_mem>>
    tpu.enqueue_indirect_dma source(%dma_start3A_102 : memref<10000x32xf32, #tpu.memory_space<hbm>>) target(%dma_start3A_97 : memref<80x32xf32, #tpu.memory_space<vmem>>) offsets(%dma_start3A_99 : memref<80xi32, #tpu.memory_space<vmem>>) semaphore(%dma_start3A_104 : memref<!tpu.dma_semaphore, #tpu.memory_space<semaphore_mem>>)
    %dma_start3A_105 = arith.constant 6 : i32
    %dma_start3A_106 = arith.constant 6 : i32
    %dma_start3A_107 = arith.constant 0 : i32
    %dma_start3A_108 = arith.constant 0 : i32
    %dma_start3A_109 = tpu.memref_slice %arg8[%dma_start3A_105, %dma_start3A_107, %dma_start3A_108] : memref<12x80x32xf32, #tpu.memory_space<vmem>> -> memref<1x80x32xf32, #tpu.memory_space<vmem>>
    %dma_start3A_110 = tpu.memref_squeeze %dma_start3A_109 : memref<1x80x32xf32, #tpu.memory_space<vmem>> -> memref<80x32xf32, #tpu.memory_space<vmem>>
    %dma_start3A_111 = arith.constant 480 : i32
    %dma_start3A_112 = tpu.memref_slice %arg6[%dma_start3A_111] : memref<10000xi32, #tpu.memory_space<vmem>> -> memref<80xi32, #tpu.memory_space<vmem>>
    %dma_start3A_113 = arith.constant 0 : i32
    %dma_start3A_114 = arith.constant 0 : i32
    %dma_start3A_115 = tpu.memref_slice %arg2[%dma_start3A_113, %dma_start3A_114] : memref<10000x32xf32, #tpu.memory_space<hbm>> -> memref<10000x32xf32, #tpu.memory_space<hbm>>
    %dma_start3A_116 = tpu.memref_slice %arg10[%dma_start3A_106] : memref<12x!tpu.dma_semaphore, #tpu.memory_space<semaphore_mem>> -> memref<1x!tpu.dma_semaphore, #tpu.memory_space<semaphore_mem>>
    %dma_start3A_117 = tpu.memref_squeeze %dma_start3A_116 : memref<1x!tpu.dma_semaphore, #tpu.memory_space<semaphore_mem>> -> memref<!tpu.dma_semaphore, #tpu.memory_space<semaphore_mem>>
    tpu.enqueue_indirect_dma source(%dma_start3A_115 : memref<10000x32xf32, #tpu.memory_space<hbm>>) target(%dma_start3A_110 : memref<80x32xf32, #tpu.memory_space<vmem>>) offsets(%dma_start3A_112 : memref<80xi32, #tpu.memory_space<vmem>>) semaphore(%dma_start3A_117 : memref<!tpu.dma_semaphore, #tpu.memory_space<semaphore_mem>>)
    %dma_start3A_118 = arith.constant 7 : i32
    %dma_start3A_119 = arith.constant 7 : i32
    %dma_start3A_120 = arith.constant 0 : i32
    %dma_start3A_121 = arith.constant 0 : i32
    %dma_start3A_122 = tpu.memref_slice %arg8[%dma_start3A_118, %dma_start3A_120, %dma_start3A_121] : memref<12x80x32xf32, #tpu.memory_space<vmem>> -> memref<1x80x32xf32, #tpu.memory_space<vmem>>
    %dma_start3A_123 = tpu.memref_squeeze %dma_start3A_122 : memref<1x80x32xf32, #tpu.memory_space<vmem>> -> memref<80x32xf32, #tpu.memory_space<vmem>>
    %dma_start3A_124 = arith.constant 560 : i32
    %dma_start3A_125 = tpu.memref_slice %arg6[%dma_start3A_124] : memref<10000xi32, #tpu.memory_space<vmem>> -> memref<80xi32, #tpu.memory_space<vmem>>
    %dma_start3A_126 = arith.constant 0 : i32
    %dma_start3A_127 = arith.constant 0 : i32
    %dma_start3A_128 = tpu.memref_slice %arg2[%dma_start3A_126, %dma_start3A_127] : memref<10000x32xf32, #tpu.memory_space<hbm>> -> memref<10000x32xf32, #tpu.memory_space<hbm>>
    %dma_start3A_129 = tpu.memref_slice %arg10[%dma_start3A_119] : memref<12x!tpu.dma_semaphore, #tpu.memory_space<semaphore_mem>> -> memref<1x!tpu.dma_semaphore, #tpu.memory_space<semaphore_mem>>
    %dma_start3A_130 = tpu.memref_squeeze %dma_start3A_129 : memref<1x!tpu.dma_semaphore, #tpu.memory_space<semaphore_mem>> -> memref<!tpu.dma_semaphore, #tpu.memory_space<semaphore_mem>>
    tpu.enqueue_indirect_dma source(%dma_start3A_128 : memref<10000x32xf32, #tpu.memory_space<hbm>>) target(%dma_start3A_123 : memref<80x32xf32, #tpu.memory_space<vmem>>) offsets(%dma_start3A_125 : memref<80xi32, #tpu.memory_space<vmem>>) semaphore(%dma_start3A_130 : memref<!tpu.dma_semaphore, #tpu.memory_space<semaphore_mem>>)
    %lt3A = arith.constant 15 : i32
    %lt3A_131 = arith.cmpi slt, %arg1, %lt3A : i32
    %convert_element_type3A = arith.extui %lt3A_131 : i1 to i32
    %cond3A = arith.constant 0 : i32
    %cond3A_132 = arith.cmpi ne, %convert_element_type3A, %cond3A : i32
    scf.if %cond3A_132 {
      "tpu.region"() ({
        %run_scoped3A = tpu.sem_alloc : memref<!tpu.dma_semaphore, #tpu.memory_space<semaphore_mem>>
        %dma_start3A_317 = arith.constant 0 : i32
        %dma_start3A_318 = tpu.memref_slice %arg9[%multiple_of3A, %dma_start3A_317] : memref<10000x32xf32, #tpu.memory_space<vmem_shared>> -> memref<624x32xf32, #tpu.memory_space<vmem_shared>>
        %dma_start3A_319 = arith.constant 0 : i32
        %dma_start3A_320 = tpu.memref_slice %arg4[%multiple_of3A, %dma_start3A_319] : memref<10000x32xf32, #tpu.memory_space<hbm>> -> memref<624x32xf32, #tpu.memory_space<hbm>>
        tpu.enqueue_dma source(%dma_start3A_320 : memref<624x32xf32, #tpu.memory_space<hbm>>) target(%dma_start3A_318 : memref<624x32xf32, #tpu.memory_space<vmem_shared>>) target_semaphore(%run_scoped3A : memref<!tpu.dma_semaphore, #tpu.memory_space<semaphore_mem>>)
        %dma_wait3A_321 = arith.constant 0 : i32
        %dma_wait3A_322 = tpu.memref_slice %arg9[%multiple_of3A, %dma_wait3A_321] : memref<10000x32xf32, #tpu.memory_space<vmem_shared>> -> memref<624x32xf32, #tpu.memory_space<vmem_shared>>
        %dma_wait3A_323 = arith.constant 0 : i32
        %dma_wait3A_324 = tpu.memref_slice %arg4[%multiple_of3A, %dma_wait3A_323] : memref<10000x32xf32, #tpu.memory_space<hbm>> -> memref<624x32xf32, #tpu.memory_space<hbm>>
        tpu.wait_dma2 semaphore(%run_scoped3A : memref<!tpu.dma_semaphore, #tpu.memory_space<semaphore_mem>>) src(%dma_wait3A_324 : memref<624x32xf32, #tpu.memory_space<hbm>>) dst(%dma_wait3A_322 : memref<624x32xf32, #tpu.memory_space<vmem_shared>>)
        tpu.yield
      }) : () -> ()
    } else {
    }
    %eq3A = arith.constant 15 : i32
    %eq3A_133 = arith.cmpi eq, %arg1, %eq3A : i32
    %convert_element_type3A_134 = arith.extui %eq3A_133 : i1 to i32
    %cond3A_135 = arith.constant 0 : i32
    %cond3A_136 = arith.cmpi ne, %convert_element_type3A_134, %cond3A_135 : i32
    scf.if %cond3A_136 {
      "tpu.region"() ({
        %run_scoped3A = tpu.sem_alloc : memref<!tpu.dma_semaphore, #tpu.memory_space<semaphore_mem>>
        %dma_start3A_317 = arith.constant 9360 : i32
        %dma_start3A_318 = arith.constant 0 : i32
        %dma_start3A_319 = tpu.memref_slice %arg9[%dma_start3A_317, %dma_start3A_318] : memref<10000x32xf32, #tpu.memory_space<vmem_shared>> -> memref<640x32xf32, #tpu.memory_space<vmem_shared>>
        %dma_start3A_320 = arith.constant 9360 : i32
        %dma_start3A_321 = arith.constant 0 : i32
        %dma_start3A_322 = tpu.memref_slice %arg4[%dma_start3A_320, %dma_start3A_321] : memref<10000x32xf32, #tpu.memory_space<hbm>> -> memref<640x32xf32, #tpu.memory_space<hbm>>
        tpu.enqueue_dma source(%dma_start3A_322 : memref<640x32xf32, #tpu.memory_space<hbm>>) target(%dma_start3A_319 : memref<640x32xf32, #tpu.memory_space<vmem_shared>>) target_semaphore(%run_scoped3A : memref<!tpu.dma_semaphore, #tpu.memory_space<semaphore_mem>>)
        %dma_wait3A_323 = arith.constant 9360 : i32
        %dma_wait3A_324 = arith.constant 0 : i32
        %dma_wait3A_325 = tpu.memref_slice %arg9[%dma_wait3A_323, %dma_wait3A_324] : memref<10000x32xf32, #tpu.memory_space<vmem_shared>> -> memref<640x32xf32, #tpu.memory_space<vmem_shared>>
        %dma_wait3A_326 = arith.constant 9360 : i32
        %dma_wait3A_327 = arith.constant 0 : i32
        %dma_wait3A_328 = tpu.memref_slice %arg4[%dma_wait3A_326, %dma_wait3A_327] : memref<10000x32xf32, #tpu.memory_space<hbm>> -> memref<640x32xf32, #tpu.memory_space<hbm>>
        tpu.wait_dma2 semaphore(%run_scoped3A : memref<!tpu.dma_semaphore, #tpu.memory_space<semaphore_mem>>) src(%dma_wait3A_328 : memref<640x32xf32, #tpu.memory_space<hbm>>) dst(%dma_wait3A_325 : memref<640x32xf32, #tpu.memory_space<vmem_shared>>)
        tpu.yield
      }) : () -> ()
    } else {
    }
    %dma_wait3A_137 = arith.constant 1 : i32
    %dma_wait3A_138 = arith.constant 1 : i32
    %dma_wait3A_139 = tpu.memref_slice %arg3[%dma_wait3A_137, %mul3A_4] : memref<2x320000xi32, #tpu.memory_space<hbm>> -> memref<1x10000xi32, #tpu.memory_space<hbm>>
    %dma_wait3A_140 = tpu.memref_squeeze %dma_wait3A_139 : memref<1x10000xi32, #tpu.memory_space<hbm>> -> memref<10000xi32, #tpu.memory_space<hbm>>
    %dma_wait3A_141 = tpu.memref_slice %arg12[%dma_wait3A_138] : memref<2x!tpu.dma_semaphore, #tpu.memory_space<semaphore_mem>> -> memref<1x!tpu.dma_semaphore, #tpu.memory_space<semaphore_mem>>
    %dma_wait3A_142 = tpu.memref_squeeze %dma_wait3A_141 : memref<1x!tpu.dma_semaphore, #tpu.memory_space<semaphore_mem>> -> memref<!tpu.dma_semaphore, #tpu.memory_space<semaphore_mem>>
    %dma_wait3A_143 = tpu.memref_slice %arg3[%dma_wait3A_137, %mul3A_4] : memref<2x320000xi32, #tpu.memory_space<hbm>> -> memref<1x10000xi32, #tpu.memory_space<hbm>>
    %dma_wait3A_144 = tpu.memref_squeeze %dma_wait3A_143 : memref<1x10000xi32, #tpu.memory_space<hbm>> -> memref<10000xi32, #tpu.memory_space<hbm>>
    tpu.wait_dma2 semaphore(%dma_wait3A_142 : memref<!tpu.dma_semaphore, #tpu.memory_space<semaphore_mem>>) src(%dma_wait3A_144 : memref<10000xi32, #tpu.memory_space<hbm>>) dst(%arg7 : memref<10000xi32, #tpu.memory_space<vmem>>)
    %barrier3A = arith.constant 0 : index
    tpu.barrier barrier_id(%barrier3A)
    %scan3A = arith.constant 0 : i32
    %scan3A_145 = arith.constant 0 : i32
    %scan3A_146 = arith.constant 125 : i32
    %scan3A_147 = arith.addi %scan3A_145, %scan3A_146 : i32
    %scan3A_148 = arith.constant 1 : i32
    scf.for %scan3A_317 = %scan3A_145 to %scan3A_147 step %scan3A_148  : i32 {
      %rem3A = arith.constant 12 : i32
      %rem3A_318 = arith.remsi %scan3A_317, %rem3A : i32
      %mul3A_319 = arith.constant 80 : i32
      %mul3A_320 = arith.muli %scan3A_317, %mul3A_319 : i32
      %dma_wait3A_321 = arith.constant 0 : i32
      %dma_wait3A_322 = arith.constant 0 : i32
      %dma_wait3A_323 = tpu.memref_slice %arg8[%rem3A_318, %dma_wait3A_321, %dma_wait3A_322] : memref<12x80x32xf32, #tpu.memory_space<vmem>> -> memref<1x80x32xf32, #tpu.memory_space<vmem>>
      %dma_wait3A_324 = tpu.memref_squeeze %dma_wait3A_323 : memref<1x80x32xf32, #tpu.memory_space<vmem>> -> memref<80x32xf32, #tpu.memory_space<vmem>>
      %dma_wait3A_325 = tpu.memref_slice %arg6[%mul3A_320] : memref<10000xi32, #tpu.memory_space<vmem>> -> memref<80xi32, #tpu.memory_space<vmem>>
      %dma_wait3A_326 = arith.constant 0 : i32
      %dma_wait3A_327 = arith.constant 0 : i32
      %dma_wait3A_328 = tpu.memref_slice %arg2[%dma_wait3A_326, %dma_wait3A_327] : memref<10000x32xf32, #tpu.memory_space<hbm>> -> memref<10000x32xf32, #tpu.memory_space<hbm>>
      %dma_wait3A_329 = tpu.memref_slice %arg10[%rem3A_318] : memref<12x!tpu.dma_semaphore, #tpu.memory_space<semaphore_mem>> -> memref<1x!tpu.dma_semaphore, #tpu.memory_space<semaphore_mem>>
      %dma_wait3A_330 = tpu.memref_squeeze %dma_wait3A_329 : memref<1x!tpu.dma_semaphore, #tpu.memory_space<semaphore_mem>> -> memref<!tpu.dma_semaphore, #tpu.memory_space<semaphore_mem>>
      tpu.wait_indirect_dma semaphore(%dma_wait3A_330 : memref<!tpu.dma_semaphore, #tpu.memory_space<semaphore_mem>>) src(%dma_wait3A_328 : memref<10000x32xf32, #tpu.memory_space<hbm>>) dst(%dma_wait3A_324 : memref<80x32xf32, #tpu.memory_space<vmem>>)
      %mul3A_331 = arith.constant 80 : i32
      %mul3A_332 = arith.muli %scan3A_317, %mul3A_331 : i32
      %dma_start3A_333 = arith.constant 0 : i32
      %dma_start3A_334 = arith.constant 0 : i32
      %dma_start3A_335 = tpu.memref_slice %arg8[%rem3A_318, %dma_start3A_333, %dma_start3A_334] : memref<12x80x32xf32, #tpu.memory_space<vmem>> -> memref<1x80x32xf32, #tpu.memory_space<vmem>>
      %dma_start3A_336 = tpu.memref_squeeze %dma_start3A_335 : memref<1x80x32xf32, #tpu.memory_space<vmem>> -> memref<80x32xf32, #tpu.memory_space<vmem>>
      %dma_start3A_337 = tpu.memref_slice %arg7[%mul3A_332] : memref<10000xi32, #tpu.memory_space<vmem>> -> memref<80xi32, #tpu.memory_space<vmem>>
      %dma_start3A_338 = arith.constant 0 : i32
      %dma_start3A_339 = arith.constant 0 : i32
      %dma_start3A_340 = tpu.memref_slice %arg9[%dma_start3A_338, %dma_start3A_339] : memref<10000x32xf32, #tpu.memory_space<vmem_shared>> -> memref<10000x32xf32, #tpu.memory_space<vmem_shared>>
      %dma_start3A_341 = tpu.memref_slice %arg11[%rem3A_318] : memref<12x!tpu.dma_semaphore, #tpu.memory_space<semaphore_mem>> -> memref<1x!tpu.dma_semaphore, #tpu.memory_space<semaphore_mem>>
      %dma_start3A_342 = tpu.memref_squeeze %dma_start3A_341 : memref<1x!tpu.dma_semaphore, #tpu.memory_space<semaphore_mem>> -> memref<!tpu.dma_semaphore, #tpu.memory_space<semaphore_mem>>
      tpu.enqueue_indirect_dma source(%dma_start3A_336 : memref<80x32xf32, #tpu.memory_space<vmem>>) target(%dma_start3A_340 : memref<10000x32xf32, #tpu.memory_space<vmem_shared>>) offsets(%dma_start3A_337 : memref<80xi32, #tpu.memory_space<vmem>>) semaphore(%dma_start3A_342 : memref<!tpu.dma_semaphore, #tpu.memory_space<semaphore_mem>>) {add = true}
      %add3A_343 = arith.constant 8 : i32
      %add3A_344 = arith.addi %scan3A_317, %add3A_343 : i32
      %rem3A_345 = arith.constant 12 : i32
      %rem3A_346 = arith.remsi %add3A_344, %rem3A_345 : i32
      %ge3A = arith.constant 12 : i32
      %ge3A_347 = arith.cmpi sge, %add3A_344, %ge3A : i32
      %lt3A_348 = arith.constant 125 : i32
      %lt3A_349 = arith.cmpi slt, %add3A_344, %lt3A_348 : i32
      %and3A = arith.andi %ge3A_347, %lt3A_349 : i1
      %convert_element_type3A_350 = arith.extui %and3A : i1 to i32
      %cond3A_351 = arith.constant 0 : i32
      %cond3A_352 = arith.cmpi ne, %convert_element_type3A_350, %cond3A_351 : i32
      scf.if %cond3A_352 {
        %sub3A = arith.constant 12 : i32
        %sub3A_358 = arith.subi %add3A_344, %sub3A : i32
        %mul3A_359 = arith.constant 80 : i32
        %mul3A_360 = arith.muli %sub3A_358, %mul3A_359 : i32
        %dma_wait3A_361 = arith.constant 0 : i32
        %dma_wait3A_362 = arith.constant 0 : i32
        %dma_wait3A_363 = tpu.memref_slice %arg8[%rem3A_346, %dma_wait3A_361, %dma_wait3A_362] : memref<12x80x32xf32, #tpu.memory_space<vmem>> -> memref<1x80x32xf32, #tpu.memory_space<vmem>>
        %dma_wait3A_364 = tpu.memref_squeeze %dma_wait3A_363 : memref<1x80x32xf32, #tpu.memory_space<vmem>> -> memref<80x32xf32, #tpu.memory_space<vmem>>
        %dma_wait3A_365 = tpu.memref_slice %arg7[%mul3A_360] : memref<10000xi32, #tpu.memory_space<vmem>> -> memref<80xi32, #tpu.memory_space<vmem>>
        %dma_wait3A_366 = arith.constant 0 : i32
        %dma_wait3A_367 = arith.constant 0 : i32
        %dma_wait3A_368 = tpu.memref_slice %arg9[%dma_wait3A_366, %dma_wait3A_367] : memref<10000x32xf32, #tpu.memory_space<vmem_shared>> -> memref<10000x32xf32, #tpu.memory_space<vmem_shared>>
        %dma_wait3A_369 = tpu.memref_slice %arg11[%rem3A_346] : memref<12x!tpu.dma_semaphore, #tpu.memory_space<semaphore_mem>> -> memref<1x!tpu.dma_semaphore, #tpu.memory_space<semaphore_mem>>
        %dma_wait3A_370 = tpu.memref_squeeze %dma_wait3A_369 : memref<1x!tpu.dma_semaphore, #tpu.memory_space<semaphore_mem>> -> memref<!tpu.dma_semaphore, #tpu.memory_space<semaphore_mem>>
        tpu.wait_indirect_dma semaphore(%dma_wait3A_370 : memref<!tpu.dma_semaphore, #tpu.memory_space<semaphore_mem>>) src(%dma_wait3A_364 : memref<80x32xf32, #tpu.memory_space<vmem>>) dst(%dma_wait3A_368 : memref<10000x32xf32, #tpu.memory_space<vmem_shared>>)
      } else {
      }
      %lt3A_353 = arith.constant 125 : i32
      %lt3A_354 = arith.cmpi slt, %add3A_344, %lt3A_353 : i32
      %convert_element_type3A_355 = arith.extui %lt3A_354 : i1 to i32
      %cond3A_356 = arith.constant 0 : i32
      %cond3A_357 = arith.cmpi ne, %convert_element_type3A_355, %cond3A_356 : i32
      scf.if %cond3A_357 {
        %mul3A_358 = arith.constant 80 : i32
        %mul3A_359 = arith.muli %add3A_344, %mul3A_358 : i32
        %dma_start3A_360 = arith.constant 0 : i32
        %dma_start3A_361 = arith.constant 0 : i32
        %dma_start3A_362 = tpu.memref_slice %arg8[%rem3A_346, %dma_start3A_360, %dma_start3A_361] : memref<12x80x32xf32, #tpu.memory_space<vmem>> -> memref<1x80x32xf32, #tpu.memory_space<vmem>>
        %dma_start3A_363 = tpu.memref_squeeze %dma_start3A_362 : memref<1x80x32xf32, #tpu.memory_space<vmem>> -> memref<80x32xf32, #tpu.memory_space<vmem>>
        %dma_start3A_364 = tpu.memref_slice %arg6[%mul3A_359] : memref<10000xi32, #tpu.memory_space<vmem>> -> memref<80xi32, #tpu.memory_space<vmem>>
        %dma_start3A_365 = arith.constant 0 : i32
        %dma_start3A_366 = arith.constant 0 : i32
        %dma_start3A_367 = tpu.memref_slice %arg2[%dma_start3A_365, %dma_start3A_366] : memref<10000x32xf32, #tpu.memory_space<hbm>> -> memref<10000x32xf32, #tpu.memory_space<hbm>>
        %dma_start3A_368 = tpu.memref_slice %arg10[%rem3A_346] : memref<12x!tpu.dma_semaphore, #tpu.memory_space<semaphore_mem>> -> memref<1x!tpu.dma_semaphore, #tpu.memory_space<semaphore_mem>>
        %dma_start3A_369 = tpu.memref_squeeze %dma_start3A_368 : memref<1x!tpu.dma_semaphore, #tpu.memory_space<semaphore_mem>> -> memref<!tpu.dma_semaphore, #tpu.memory_space<semaphore_mem>>
        tpu.enqueue_indirect_dma source(%dma_start3A_367 : memref<10000x32xf32, #tpu.memory_space<hbm>>) target(%dma_start3A_363 : memref<80x32xf32, #tpu.memory_space<vmem>>) offsets(%dma_start3A_364 : memref<80xi32, #tpu.memory_space<vmem>>) semaphore(%dma_start3A_369 : memref<!tpu.dma_semaphore, #tpu.memory_space<semaphore_mem>>)
      } else {
      }
    }
    %scan3A_149 = arith.constant 125 : i32
    %dma_wait3A_150 = arith.constant 5 : i32
    %dma_wait3A_151 = arith.constant 5 : i32
    %dma_wait3A_152 = arith.constant 0 : i32
    %dma_wait3A_153 = arith.constant 0 : i32
    %dma_wait3A_154 = tpu.memref_slice %arg8[%dma_wait3A_150, %dma_wait3A_152, %dma_wait3A_153] : memref<12x80x32xf32, #tpu.memory_space<vmem>> -> memref<1x80x32xf32, #tpu.memory_space<vmem>>
    %dma_wait3A_155 = tpu.memref_squeeze %dma_wait3A_154 : memref<1x80x32xf32, #tpu.memory_space<vmem>> -> memref<80x32xf32, #tpu.memory_space<vmem>>
    %dma_wait3A_156 = arith.constant 9040 : i32
    %dma_wait3A_157 = tpu.memref_slice %arg7[%dma_wait3A_156] : memref<10000xi32, #tpu.memory_space<vmem>> -> memref<80xi32, #tpu.memory_space<vmem>>
    %dma_wait3A_158 = arith.constant 0 : i32
    %dma_wait3A_159 = arith.constant 0 : i32
    %dma_wait3A_160 = tpu.memref_slice %arg9[%dma_wait3A_158, %dma_wait3A_159] : memref<10000x32xf32, #tpu.memory_space<vmem_shared>> -> memref<10000x32xf32, #tpu.memory_space<vmem_shared>>
    %dma_wait3A_161 = tpu.memref_slice %arg11[%dma_wait3A_151] : memref<12x!tpu.dma_semaphore, #tpu.memory_space<semaphore_mem>> -> memref<1x!tpu.dma_semaphore, #tpu.memory_space<semaphore_mem>>
    %dma_wait3A_162 = tpu.memref_squeeze %dma_wait3A_161 : memref<1x!tpu.dma_semaphore, #tpu.memory_space<semaphore_mem>> -> memref<!tpu.dma_semaphore, #tpu.memory_space<semaphore_mem>>
    tpu.wait_indirect_dma semaphore(%dma_wait3A_162 : memref<!tpu.dma_semaphore, #tpu.memory_space<semaphore_mem>>) src(%dma_wait3A_155 : memref<80x32xf32, #tpu.memory_space<vmem>>) dst(%dma_wait3A_160 : memref<10000x32xf32, #tpu.memory_space<vmem_shared>>)
    %dma_wait3A_163 = arith.constant 6 : i32
    %dma_wait3A_164 = arith.constant 6 : i32
    %dma_wait3A_165 = arith.constant 0 : i32
    %dma_wait3A_166 = arith.constant 0 : i32
    %dma_wait3A_167 = tpu.memref_slice %arg8[%dma_wait3A_163, %dma_wait3A_165, %dma_wait3A_166] : memref<12x80x32xf32, #tpu.memory_space<vmem>> -> memref<1x80x32xf32, #tpu.memory_space<vmem>>
    %dma_wait3A_168 = tpu.memref_squeeze %dma_wait3A_167 : memref<1x80x32xf32, #tpu.memory_space<vmem>> -> memref<80x32xf32, #tpu.memory_space<vmem>>
    %dma_wait3A_169 = arith.constant 9120 : i32
    %dma_wait3A_170 = tpu.memref_slice %arg7[%dma_wait3A_169] : memref<10000xi32, #tpu.memory_space<vmem>> -> memref<80xi32, #tpu.memory_space<vmem>>
    %dma_wait3A_171 = arith.constant 0 : i32
    %dma_wait3A_172 = arith.constant 0 : i32
    %dma_wait3A_173 = tpu.memref_slice %arg9[%dma_wait3A_171, %dma_wait3A_172] : memref<10000x32xf32, #tpu.memory_space<vmem_shared>> -> memref<10000x32xf32, #tpu.memory_space<vmem_shared>>
    %dma_wait3A_174 = tpu.memref_slice %arg11[%dma_wait3A_164] : memref<12x!tpu.dma_semaphore, #tpu.memory_space<semaphore_mem>> -> memref<1x!tpu.dma_semaphore, #tpu.memory_space<semaphore_mem>>
    %dma_wait3A_175 = tpu.memref_squeeze %dma_wait3A_174 : memref<1x!tpu.dma_semaphore, #tpu.memory_space<semaphore_mem>> -> memref<!tpu.dma_semaphore, #tpu.memory_space<semaphore_mem>>
    tpu.wait_indirect_dma semaphore(%dma_wait3A_175 : memref<!tpu.dma_semaphore, #tpu.memory_space<semaphore_mem>>) src(%dma_wait3A_168 : memref<80x32xf32, #tpu.memory_space<vmem>>) dst(%dma_wait3A_173 : memref<10000x32xf32, #tpu.memory_space<vmem_shared>>)
    %dma_wait3A_176 = arith.constant 7 : i32
    %dma_wait3A_177 = arith.constant 7 : i32
    %dma_wait3A_178 = arith.constant 0 : i32
    %dma_wait3A_179 = arith.constant 0 : i32
    %dma_wait3A_180 = tpu.memref_slice %arg8[%dma_wait3A_176, %dma_wait3A_178, %dma_wait3A_179] : memref<12x80x32xf32, #tpu.memory_space<vmem>> -> memref<1x80x32xf32, #tpu.memory_space<vmem>>
    %dma_wait3A_181 = tpu.memref_squeeze %dma_wait3A_180 : memref<1x80x32xf32, #tpu.memory_space<vmem>> -> memref<80x32xf32, #tpu.memory_space<vmem>>
    %dma_wait3A_182 = arith.constant 9200 : i32
    %dma_wait3A_183 = tpu.memref_slice %arg7[%dma_wait3A_182] : memref<10000xi32, #tpu.memory_space<vmem>> -> memref<80xi32, #tpu.memory_space<vmem>>
    %dma_wait3A_184 = arith.constant 0 : i32
    %dma_wait3A_185 = arith.constant 0 : i32
    %dma_wait3A_186 = tpu.memref_slice %arg9[%dma_wait3A_184, %dma_wait3A_185] : memref<10000x32xf32, #tpu.memory_space<vmem_shared>> -> memref<10000x32xf32, #tpu.memory_space<vmem_shared>>
    %dma_wait3A_187 = tpu.memref_slice %arg11[%dma_wait3A_177] : memref<12x!tpu.dma_semaphore, #tpu.memory_space<semaphore_mem>> -> memref<1x!tpu.dma_semaphore, #tpu.memory_space<semaphore_mem>>
    %dma_wait3A_188 = tpu.memref_squeeze %dma_wait3A_187 : memref<1x!tpu.dma_semaphore, #tpu.memory_space<semaphore_mem>> -> memref<!tpu.dma_semaphore, #tpu.memory_space<semaphore_mem>>
    tpu.wait_indirect_dma semaphore(%dma_wait3A_188 : memref<!tpu.dma_semaphore, #tpu.memory_space<semaphore_mem>>) src(%dma_wait3A_181 : memref<80x32xf32, #tpu.memory_space<vmem>>) dst(%dma_wait3A_186 : memref<10000x32xf32, #tpu.memory_space<vmem_shared>>)
    %dma_wait3A_189 = arith.constant 8 : i32
    %dma_wait3A_190 = arith.constant 8 : i32
    %dma_wait3A_191 = arith.constant 0 : i32
    %dma_wait3A_192 = arith.constant 0 : i32
    %dma_wait3A_193 = tpu.memref_slice %arg8[%dma_wait3A_189, %dma_wait3A_191, %dma_wait3A_192] : memref<12x80x32xf32, #tpu.memory_space<vmem>> -> memref<1x80x32xf32, #tpu.memory_space<vmem>>
    %dma_wait3A_194 = tpu.memref_squeeze %dma_wait3A_193 : memref<1x80x32xf32, #tpu.memory_space<vmem>> -> memref<80x32xf32, #tpu.memory_space<vmem>>
    %dma_wait3A_195 = arith.constant 9280 : i32
    %dma_wait3A_196 = tpu.memref_slice %arg7[%dma_wait3A_195] : memref<10000xi32, #tpu.memory_space<vmem>> -> memref<80xi32, #tpu.memory_space<vmem>>
    %dma_wait3A_197 = arith.constant 0 : i32
    %dma_wait3A_198 = arith.constant 0 : i32
    %dma_wait3A_199 = tpu.memref_slice %arg9[%dma_wait3A_197, %dma_wait3A_198] : memref<10000x32xf32, #tpu.memory_space<vmem_shared>> -> memref<10000x32xf32, #tpu.memory_space<vmem_shared>>
    %dma_wait3A_200 = tpu.memref_slice %arg11[%dma_wait3A_190] : memref<12x!tpu.dma_semaphore, #tpu.memory_space<semaphore_mem>> -> memref<1x!tpu.dma_semaphore, #tpu.memory_space<semaphore_mem>>
    %dma_wait3A_201 = tpu.memref_squeeze %dma_wait3A_200 : memref<1x!tpu.dma_semaphore, #tpu.memory_space<semaphore_mem>> -> memref<!tpu.dma_semaphore, #tpu.memory_space<semaphore_mem>>
    tpu.wait_indirect_dma semaphore(%dma_wait3A_201 : memref<!tpu.dma_semaphore, #tpu.memory_space<semaphore_mem>>) src(%dma_wait3A_194 : memref<80x32xf32, #tpu.memory_space<vmem>>) dst(%dma_wait3A_199 : memref<10000x32xf32, #tpu.memory_space<vmem_shared>>)
    %dma_wait3A_202 = arith.constant 9 : i32
    %dma_wait3A_203 = arith.constant 9 : i32
    %dma_wait3A_204 = arith.constant 0 : i32
    %dma_wait3A_205 = arith.constant 0 : i32
    %dma_wait3A_206 = tpu.memref_slice %arg8[%dma_wait3A_202, %dma_wait3A_204, %dma_wait3A_205] : memref<12x80x32xf32, #tpu.memory_space<vmem>> -> memref<1x80x32xf32, #tpu.memory_space<vmem>>
    %dma_wait3A_207 = tpu.memref_squeeze %dma_wait3A_206 : memref<1x80x32xf32, #tpu.memory_space<vmem>> -> memref<80x32xf32, #tpu.memory_space<vmem>>
    %dma_wait3A_208 = arith.constant 9360 : i32
    %dma_wait3A_209 = tpu.memref_slice %arg7[%dma_wait3A_208] : memref<10000xi32, #tpu.memory_space<vmem>> -> memref<80xi32, #tpu.memory_space<vmem>>
    %dma_wait3A_210 = arith.constant 0 : i32
    %dma_wait3A_211 = arith.constant 0 : i32
    %dma_wait3A_212 = tpu.memref_slice %arg9[%dma_wait3A_210, %dma_wait3A_211] : memref<10000x32xf32, #tpu.memory_space<vmem_shared>> -> memref<10000x32xf32, #tpu.memory_space<vmem_shared>>
    %dma_wait3A_213 = tpu.memref_slice %arg11[%dma_wait3A_203] : memref<12x!tpu.dma_semaphore, #tpu.memory_space<semaphore_mem>> -> memref<1x!tpu.dma_semaphore, #tpu.memory_space<semaphore_mem>>
    %dma_wait3A_214 = tpu.memref_squeeze %dma_wait3A_213 : memref<1x!tpu.dma_semaphore, #tpu.memory_space<semaphore_mem>> -> memref<!tpu.dma_semaphore, #tpu.memory_space<semaphore_mem>>
    tpu.wait_indirect_dma semaphore(%dma_wait3A_214 : memref<!tpu.dma_semaphore, #tpu.memory_space<semaphore_mem>>) src(%dma_wait3A_207 : memref<80x32xf32, #tpu.memory_space<vmem>>) dst(%dma_wait3A_212 : memref<10000x32xf32, #tpu.memory_space<vmem_shared>>)
    %dma_wait3A_215 = arith.constant 10 : i32
    %dma_wait3A_216 = arith.constant 10 : i32
    %dma_wait3A_217 = arith.constant 0 : i32
    %dma_wait3A_218 = arith.constant 0 : i32
    %dma_wait3A_219 = tpu.memref_slice %arg8[%dma_wait3A_215, %dma_wait3A_217, %dma_wait3A_218] : memref<12x80x32xf32, #tpu.memory_space<vmem>> -> memref<1x80x32xf32, #tpu.memory_space<vmem>>
    %dma_wait3A_220 = tpu.memref_squeeze %dma_wait3A_219 : memref<1x80x32xf32, #tpu.memory_space<vmem>> -> memref<80x32xf32, #tpu.memory_space<vmem>>
    %dma_wait3A_221 = arith.constant 9440 : i32
    %dma_wait3A_222 = tpu.memref_slice %arg7[%dma_wait3A_221] : memref<10000xi32, #tpu.memory_space<vmem>> -> memref<80xi32, #tpu.memory_space<vmem>>
    %dma_wait3A_223 = arith.constant 0 : i32
    %dma_wait3A_224 = arith.constant 0 : i32
    %dma_wait3A_225 = tpu.memref_slice %arg9[%dma_wait3A_223, %dma_wait3A_224] : memref<10000x32xf32, #tpu.memory_space<vmem_shared>> -> memref<10000x32xf32, #tpu.memory_space<vmem_shared>>
    %dma_wait3A_226 = tpu.memref_slice %arg11[%dma_wait3A_216] : memref<12x!tpu.dma_semaphore, #tpu.memory_space<semaphore_mem>> -> memref<1x!tpu.dma_semaphore, #tpu.memory_space<semaphore_mem>>
    %dma_wait3A_227 = tpu.memref_squeeze %dma_wait3A_226 : memref<1x!tpu.dma_semaphore, #tpu.memory_space<semaphore_mem>> -> memref<!tpu.dma_semaphore, #tpu.memory_space<semaphore_mem>>
    tpu.wait_indirect_dma semaphore(%dma_wait3A_227 : memref<!tpu.dma_semaphore, #tpu.memory_space<semaphore_mem>>) src(%dma_wait3A_220 : memref<80x32xf32, #tpu.memory_space<vmem>>) dst(%dma_wait3A_225 : memref<10000x32xf32, #tpu.memory_space<vmem_shared>>)
    %dma_wait3A_228 = arith.constant 11 : i32
    %dma_wait3A_229 = arith.constant 11 : i32
    %dma_wait3A_230 = arith.constant 0 : i32
    %dma_wait3A_231 = arith.constant 0 : i32
    %dma_wait3A_232 = tpu.memref_slice %arg8[%dma_wait3A_228, %dma_wait3A_230, %dma_wait3A_231] : memref<12x80x32xf32, #tpu.memory_space<vmem>> -> memref<1x80x32xf32, #tpu.memory_space<vmem>>
    %dma_wait3A_233 = tpu.memref_squeeze %dma_wait3A_232 : memref<1x80x32xf32, #tpu.memory_space<vmem>> -> memref<80x32xf32, #tpu.memory_space<vmem>>
    %dma_wait3A_234 = arith.constant 9520 : i32
    %dma_wait3A_235 = tpu.memref_slice %arg7[%dma_wait3A_234] : memref<10000xi32, #tpu.memory_space<vmem>> -> memref<80xi32, #tpu.memory_space<vmem>>
    %dma_wait3A_236 = arith.constant 0 : i32
    %dma_wait3A_237 = arith.constant 0 : i32
    %dma_wait3A_238 = tpu.memref_slice %arg9[%dma_wait3A_236, %dma_wait3A_237] : memref<10000x32xf32, #tpu.memory_space<vmem_shared>> -> memref<10000x32xf32, #tpu.memory_space<vmem_shared>>
    %dma_wait3A_239 = tpu.memref_slice %arg11[%dma_wait3A_229] : memref<12x!tpu.dma_semaphore, #tpu.memory_space<semaphore_mem>> -> memref<1x!tpu.dma_semaphore, #tpu.memory_space<semaphore_mem>>
    %dma_wait3A_240 = tpu.memref_squeeze %dma_wait3A_239 : memref<1x!tpu.dma_semaphore, #tpu.memory_space<semaphore_mem>> -> memref<!tpu.dma_semaphore, #tpu.memory_space<semaphore_mem>>
    tpu.wait_indirect_dma semaphore(%dma_wait3A_240 : memref<!tpu.dma_semaphore, #tpu.memory_space<semaphore_mem>>) src(%dma_wait3A_233 : memref<80x32xf32, #tpu.memory_space<vmem>>) dst(%dma_wait3A_238 : memref<10000x32xf32, #tpu.memory_space<vmem_shared>>)
    %dma_wait3A_241 = arith.constant 0 : i32
    %dma_wait3A_242 = arith.constant 0 : i32
    %dma_wait3A_243 = arith.constant 0 : i32
    %dma_wait3A_244 = arith.constant 0 : i32
    %dma_wait3A_245 = tpu.memref_slice %arg8[%dma_wait3A_241, %dma_wait3A_243, %dma_wait3A_244] : memref<12x80x32xf32, #tpu.memory_space<vmem>> -> memref<1x80x32xf32, #tpu.memory_space<vmem>>
    %dma_wait3A_246 = tpu.memref_squeeze %dma_wait3A_245 : memref<1x80x32xf32, #tpu.memory_space<vmem>> -> memref<80x32xf32, #tpu.memory_space<vmem>>
    %dma_wait3A_247 = arith.constant 9600 : i32
    %dma_wait3A_248 = tpu.memref_slice %arg7[%dma_wait3A_247] : memref<10000xi32, #tpu.memory_space<vmem>> -> memref<80xi32, #tpu.memory_space<vmem>>
    %dma_wait3A_249 = arith.constant 0 : i32
    %dma_wait3A_250 = arith.constant 0 : i32
    %dma_wait3A_251 = tpu.memref_slice %arg9[%dma_wait3A_249, %dma_wait3A_250] : memref<10000x32xf32, #tpu.memory_space<vmem_shared>> -> memref<10000x32xf32, #tpu.memory_space<vmem_shared>>
    %dma_wait3A_252 = tpu.memref_slice %arg11[%dma_wait3A_242] : memref<12x!tpu.dma_semaphore, #tpu.memory_space<semaphore_mem>> -> memref<1x!tpu.dma_semaphore, #tpu.memory_space<semaphore_mem>>
    %dma_wait3A_253 = tpu.memref_squeeze %dma_wait3A_252 : memref<1x!tpu.dma_semaphore, #tpu.memory_space<semaphore_mem>> -> memref<!tpu.dma_semaphore, #tpu.memory_space<semaphore_mem>>
    tpu.wait_indirect_dma semaphore(%dma_wait3A_253 : memref<!tpu.dma_semaphore, #tpu.memory_space<semaphore_mem>>) src(%dma_wait3A_246 : memref<80x32xf32, #tpu.memory_space<vmem>>) dst(%dma_wait3A_251 : memref<10000x32xf32, #tpu.memory_space<vmem_shared>>)
    %dma_wait3A_254 = arith.constant 1 : i32
    %dma_wait3A_255 = arith.constant 1 : i32
    %dma_wait3A_256 = arith.constant 0 : i32
    %dma_wait3A_257 = arith.constant 0 : i32
    %dma_wait3A_258 = tpu.memref_slice %arg8[%dma_wait3A_254, %dma_wait3A_256, %dma_wait3A_257] : memref<12x80x32xf32, #tpu.memory_space<vmem>> -> memref<1x80x32xf32, #tpu.memory_space<vmem>>
    %dma_wait3A_259 = tpu.memref_squeeze %dma_wait3A_258 : memref<1x80x32xf32, #tpu.memory_space<vmem>> -> memref<80x32xf32, #tpu.memory_space<vmem>>
    %dma_wait3A_260 = arith.constant 9680 : i32
    %dma_wait3A_261 = tpu.memref_slice %arg7[%dma_wait3A_260] : memref<10000xi32, #tpu.memory_space<vmem>> -> memref<80xi32, #tpu.memory_space<vmem>>
    %dma_wait3A_262 = arith.constant 0 : i32
    %dma_wait3A_263 = arith.constant 0 : i32
    %dma_wait3A_264 = tpu.memref_slice %arg9[%dma_wait3A_262, %dma_wait3A_263] : memref<10000x32xf32, #tpu.memory_space<vmem_shared>> -> memref<10000x32xf32, #tpu.memory_space<vmem_shared>>
    %dma_wait3A_265 = tpu.memref_slice %arg11[%dma_wait3A_255] : memref<12x!tpu.dma_semaphore, #tpu.memory_space<semaphore_mem>> -> memref<1x!tpu.dma_semaphore, #tpu.memory_space<semaphore_mem>>
    %dma_wait3A_266 = tpu.memref_squeeze %dma_wait3A_265 : memref<1x!tpu.dma_semaphore, #tpu.memory_space<semaphore_mem>> -> memref<!tpu.dma_semaphore, #tpu.memory_space<semaphore_mem>>
    tpu.wait_indirect_dma semaphore(%dma_wait3A_266 : memref<!tpu.dma_semaphore, #tpu.memory_space<semaphore_mem>>) src(%dma_wait3A_259 : memref<80x32xf32, #tpu.memory_space<vmem>>) dst(%dma_wait3A_264 : memref<10000x32xf32, #tpu.memory_space<vmem_shared>>)
    %dma_wait3A_267 = arith.constant 2 : i32
    %dma_wait3A_268 = arith.constant 2 : i32
    %dma_wait3A_269 = arith.constant 0 : i32
    %dma_wait3A_270 = arith.constant 0 : i32
    %dma_wait3A_271 = tpu.memref_slice %arg8[%dma_wait3A_267, %dma_wait3A_269, %dma_wait3A_270] : memref<12x80x32xf32, #tpu.memory_space<vmem>> -> memref<1x80x32xf32, #tpu.memory_space<vmem>>
    %dma_wait3A_272 = tpu.memref_squeeze %dma_wait3A_271 : memref<1x80x32xf32, #tpu.memory_space<vmem>> -> memref<80x32xf32, #tpu.memory_space<vmem>>
    %dma_wait3A_273 = arith.constant 9760 : i32
    %dma_wait3A_274 = tpu.memref_slice %arg7[%dma_wait3A_273] : memref<10000xi32, #tpu.memory_space<vmem>> -> memref<80xi32, #tpu.memory_space<vmem>>
    %dma_wait3A_275 = arith.constant 0 : i32
    %dma_wait3A_276 = arith.constant 0 : i32
    %dma_wait3A_277 = tpu.memref_slice %arg9[%dma_wait3A_275, %dma_wait3A_276] : memref<10000x32xf32, #tpu.memory_space<vmem_shared>> -> memref<10000x32xf32, #tpu.memory_space<vmem_shared>>
    %dma_wait3A_278 = tpu.memref_slice %arg11[%dma_wait3A_268] : memref<12x!tpu.dma_semaphore, #tpu.memory_space<semaphore_mem>> -> memref<1x!tpu.dma_semaphore, #tpu.memory_space<semaphore_mem>>
    %dma_wait3A_279 = tpu.memref_squeeze %dma_wait3A_278 : memref<1x!tpu.dma_semaphore, #tpu.memory_space<semaphore_mem>> -> memref<!tpu.dma_semaphore, #tpu.memory_space<semaphore_mem>>
    tpu.wait_indirect_dma semaphore(%dma_wait3A_279 : memref<!tpu.dma_semaphore, #tpu.memory_space<semaphore_mem>>) src(%dma_wait3A_272 : memref<80x32xf32, #tpu.memory_space<vmem>>) dst(%dma_wait3A_277 : memref<10000x32xf32, #tpu.memory_space<vmem_shared>>)
    %dma_wait3A_280 = arith.constant 3 : i32
    %dma_wait3A_281 = arith.constant 3 : i32
    %dma_wait3A_282 = arith.constant 0 : i32
    %dma_wait3A_283 = arith.constant 0 : i32
    %dma_wait3A_284 = tpu.memref_slice %arg8[%dma_wait3A_280, %dma_wait3A_282, %dma_wait3A_283] : memref<12x80x32xf32, #tpu.memory_space<vmem>> -> memref<1x80x32xf32, #tpu.memory_space<vmem>>
    %dma_wait3A_285 = tpu.memref_squeeze %dma_wait3A_284 : memref<1x80x32xf32, #tpu.memory_space<vmem>> -> memref<80x32xf32, #tpu.memory_space<vmem>>
    %dma_wait3A_286 = arith.constant 9840 : i32
    %dma_wait3A_287 = tpu.memref_slice %arg7[%dma_wait3A_286] : memref<10000xi32, #tpu.memory_space<vmem>> -> memref<80xi32, #tpu.memory_space<vmem>>
    %dma_wait3A_288 = arith.constant 0 : i32
    %dma_wait3A_289 = arith.constant 0 : i32
    %dma_wait3A_290 = tpu.memref_slice %arg9[%dma_wait3A_288, %dma_wait3A_289] : memref<10000x32xf32, #tpu.memory_space<vmem_shared>> -> memref<10000x32xf32, #tpu.memory_space<vmem_shared>>
    %dma_wait3A_291 = tpu.memref_slice %arg11[%dma_wait3A_281] : memref<12x!tpu.dma_semaphore, #tpu.memory_space<semaphore_mem>> -> memref<1x!tpu.dma_semaphore, #tpu.memory_space<semaphore_mem>>
    %dma_wait3A_292 = tpu.memref_squeeze %dma_wait3A_291 : memref<1x!tpu.dma_semaphore, #tpu.memory_space<semaphore_mem>> -> memref<!tpu.dma_semaphore, #tpu.memory_space<semaphore_mem>>
    tpu.wait_indirect_dma semaphore(%dma_wait3A_292 : memref<!tpu.dma_semaphore, #tpu.memory_space<semaphore_mem>>) src(%dma_wait3A_285 : memref<80x32xf32, #tpu.memory_space<vmem>>) dst(%dma_wait3A_290 : memref<10000x32xf32, #tpu.memory_space<vmem_shared>>)
    %dma_wait3A_293 = arith.constant 4 : i32
    %dma_wait3A_294 = arith.constant 4 : i32
    %dma_wait3A_295 = arith.constant 0 : i32
    %dma_wait3A_296 = arith.constant 0 : i32
    %dma_wait3A_297 = tpu.memref_slice %arg8[%dma_wait3A_293, %dma_wait3A_295, %dma_wait3A_296] : memref<12x80x32xf32, #tpu.memory_space<vmem>> -> memref<1x80x32xf32, #tpu.memory_space<vmem>>
    %dma_wait3A_298 = tpu.memref_squeeze %dma_wait3A_297 : memref<1x80x32xf32, #tpu.memory_space<vmem>> -> memref<80x32xf32, #tpu.memory_space<vmem>>
    %dma_wait3A_299 = arith.constant 9920 : i32
    %dma_wait3A_300 = tpu.memref_slice %arg7[%dma_wait3A_299] : memref<10000xi32, #tpu.memory_space<vmem>> -> memref<80xi32, #tpu.memory_space<vmem>>
    %dma_wait3A_301 = arith.constant 0 : i32
    %dma_wait3A_302 = arith.constant 0 : i32
    %dma_wait3A_303 = tpu.memref_slice %arg9[%dma_wait3A_301, %dma_wait3A_302] : memref<10000x32xf32, #tpu.memory_space<vmem_shared>> -> memref<10000x32xf32, #tpu.memory_space<vmem_shared>>
    %dma_wait3A_304 = tpu.memref_slice %arg11[%dma_wait3A_294] : memref<12x!tpu.dma_semaphore, #tpu.memory_space<semaphore_mem>> -> memref<1x!tpu.dma_semaphore, #tpu.memory_space<semaphore_mem>>
    %dma_wait3A_305 = tpu.memref_squeeze %dma_wait3A_304 : memref<1x!tpu.dma_semaphore, #tpu.memory_space<semaphore_mem>> -> memref<!tpu.dma_semaphore, #tpu.memory_space<semaphore_mem>>
    tpu.wait_indirect_dma semaphore(%dma_wait3A_305 : memref<!tpu.dma_semaphore, #tpu.memory_space<semaphore_mem>>) src(%dma_wait3A_298 : memref<80x32xf32, #tpu.memory_space<vmem>>) dst(%dma_wait3A_303 : memref<10000x32xf32, #tpu.memory_space<vmem_shared>>)
    %barrier3A_306 = arith.constant 0 : index
    tpu.barrier barrier_id(%barrier3A_306)
    %lt3A_307 = arith.constant 15 : i32
    %lt3A_308 = arith.cmpi slt, %arg1, %lt3A_307 : i32
    %convert_element_type3A_309 = arith.extui %lt3A_308 : i1 to i32
    %cond3A_310 = arith.constant 0 : i32
    %cond3A_311 = arith.cmpi ne, %convert_element_type3A_309, %cond3A_310 : i32
    scf.if %cond3A_311 {
      "tpu.region"() ({
        %run_scoped3A = tpu.sem_alloc : memref<!tpu.dma_semaphore, #tpu.memory_space<semaphore_mem>>
        %dma_start3A_317 = arith.constant 0 : i32
        %dma_start3A_318 = tpu.memref_slice %arg5[%arg0, %multiple_of3A, %dma_start3A_317] : memref<2x10000x32xf32, #tpu.memory_space<hbm>> -> memref<1x624x32xf32, #tpu.memory_space<hbm>>
        %dma_start3A_319 = tpu.memref_squeeze %dma_start3A_318 : memref<1x624x32xf32, #tpu.memory_space<hbm>> -> memref<624x32xf32, #tpu.memory_space<hbm>>
        %dma_start3A_320 = arith.constant 0 : i32
        %dma_start3A_321 = tpu.memref_slice %arg9[%multiple_of3A, %dma_start3A_320] : memref<10000x32xf32, #tpu.memory_space<vmem_shared>> -> memref<624x32xf32, #tpu.memory_space<vmem_shared>>
        tpu.enqueue_dma source(%dma_start3A_321 : memref<624x32xf32, #tpu.memory_space<vmem_shared>>) target(%dma_start3A_319 : memref<624x32xf32, #tpu.memory_space<hbm>>) target_semaphore(%run_scoped3A : memref<!tpu.dma_semaphore, #tpu.memory_space<semaphore_mem>>)
        %dma_wait3A_322 = arith.constant 0 : i32
        %dma_wait3A_323 = tpu.memref_slice %arg5[%arg0, %multiple_of3A, %dma_wait3A_322] : memref<2x10000x32xf32, #tpu.memory_space<hbm>> -> memref<1x624x32xf32, #tpu.memory_space<hbm>>
        %dma_wait3A_324 = tpu.memref_squeeze %dma_wait3A_323 : memref<1x624x32xf32, #tpu.memory_space<hbm>> -> memref<624x32xf32, #tpu.memory_space<hbm>>
        %dma_wait3A_325 = arith.constant 0 : i32
        %dma_wait3A_326 = tpu.memref_slice %arg9[%multiple_of3A, %dma_wait3A_325] : memref<10000x32xf32, #tpu.memory_space<vmem_shared>> -> memref<624x32xf32, #tpu.memory_space<vmem_shared>>
        tpu.wait_dma2 semaphore(%run_scoped3A : memref<!tpu.dma_semaphore, #tpu.memory_space<semaphore_mem>>) src(%dma_wait3A_326 : memref<624x32xf32, #tpu.memory_space<vmem_shared>>) dst(%dma_wait3A_324 : memref<624x32xf32, #tpu.memory_space<hbm>>)
        tpu.yield
      }) : () -> ()
    } else {
    }
    %eq3A_312 = arith.constant 15 : i32
    %eq3A_313 = arith.cmpi eq, %arg1, %eq3A_312 : i32
    %convert_element_type3A_314 = arith.extui %eq3A_313 : i1 to i32
    %cond3A_315 = arith.constant 0 : i32
    %cond3A_316 = arith.cmpi ne, %convert_element_type3A_314, %cond3A_315 : i32
    scf.if %cond3A_316 {
      "tpu.region"() ({
        %run_scoped3A = tpu.sem_alloc : memref<!tpu.dma_semaphore, #tpu.memory_space<semaphore_mem>>
        %dma_start3A_317 = arith.constant 9360 : i32
        %dma_start3A_318 = arith.constant 0 : i32
        %dma_start3A_319 = tpu.memref_slice %arg5[%arg0, %dma_start3A_317, %dma_start3A_318] : memref<2x10000x32xf32, #tpu.memory_space<hbm>> -> memref<1x640x32xf32, #tpu.memory_space<hbm>>
        %dma_start3A_320 = tpu.memref_squeeze %dma_start3A_319 : memref<1x640x32xf32, #tpu.memory_space<hbm>> -> memref<640x32xf32, #tpu.memory_space<hbm>>
        %dma_start3A_321 = arith.constant 9360 : i32
        %dma_start3A_322 = arith.constant 0 : i32
        %dma_start3A_323 = tpu.memref_slice %arg9[%dma_start3A_321, %dma_start3A_322] : memref<10000x32xf32, #tpu.memory_space<vmem_shared>> -> memref<640x32xf32, #tpu.memory_space<vmem_shared>>
        tpu.enqueue_dma source(%dma_start3A_323 : memref<640x32xf32, #tpu.memory_space<vmem_shared>>) target(%dma_start3A_320 : memref<640x32xf32, #tpu.memory_space<hbm>>) target_semaphore(%run_scoped3A : memref<!tpu.dma_semaphore, #tpu.memory_space<semaphore_mem>>)
        %dma_wait3A_324 = arith.constant 9360 : i32
        %dma_wait3A_325 = arith.constant 0 : i32
        %dma_wait3A_326 = tpu.memref_slice %arg5[%arg0, %dma_wait3A_324, %dma_wait3A_325] : memref<2x10000x32xf32, #tpu.memory_space<hbm>> -> memref<1x640x32xf32, #tpu.memory_space<hbm>>
        %dma_wait3A_327 = tpu.memref_squeeze %dma_wait3A_326 : memref<1x640x32xf32, #tpu.memory_space<hbm>> -> memref<640x32xf32, #tpu.memory_space<hbm>>
        %dma_wait3A_328 = arith.constant 9360 : i32
        %dma_wait3A_329 = arith.constant 0 : i32
        %dma_wait3A_330 = tpu.memref_slice %arg9[%dma_wait3A_328, %dma_wait3A_329] : memref<10000x32xf32, #tpu.memory_space<vmem_shared>> -> memref<640x32xf32, #tpu.memory_space<vmem_shared>>
        tpu.wait_dma2 semaphore(%run_scoped3A : memref<!tpu.dma_semaphore, #tpu.memory_space<semaphore_mem>>) src(%dma_wait3A_330 : memref<640x32xf32, #tpu.memory_space<vmem_shared>>) dst(%dma_wait3A_327 : memref<640x32xf32, #tpu.memory_space<hbm>>)
        tpu.yield
      }) : () -> ()
    } else {
    }
    return
  }
}

#map = affine_map<(d0, d1) -> (0, 0)>
#map1 = affine_map<(d0, d1) -> (0, 0, 0)>
module attributes {stable_mosaic.version = 14 : i64} {
  func.func @_segsum_body(%arg0: i32, %arg1: i32, %arg2: memref<10000x32xf32, #tpu.memory_space<hbm>>, %arg3: memref<2x320000xi32, #tpu.memory_space<hbm>>, %arg4: memref<10000x32xf32, #tpu.memory_space<hbm>>, %arg5: memref<2x10000x32xf32, #tpu.memory_space<hbm>>, %arg6: memref<10000xi32, #tpu.memory_space<vmem>>, %arg7: memref<10000xi32, #tpu.memory_space<vmem>>, %arg8: memref<12x80x32xf32, #tpu.memory_space<vmem>>, %arg9: memref<10000x32xf32, #tpu.memory_space<vmem_shared>>, %arg10: memref<12x!tpu.dma_semaphore, #tpu.memory_space<semaphore_mem>>, %arg11: memref<12x!tpu.dma_semaphore, #tpu.memory_space<semaphore_mem>>, %arg12: memref<2x!tpu.dma_semaphore, #tpu.memory_space<semaphore_mem>>) attributes {dimension_semantics = [#tpu.dimension_semantics<core_parallel>, #tpu.dimension_semantics<subcore_parallel>], iteration_bounds = array<i64: 2, 16>, scalar_prefetch = 0 : i64, scratch_operands = 7 : i64, tpu.core_type = #tpu.core_type<sc_vector_subcore>, window_params = [{transform_indices = #map}, {transform_indices = #map}, {transform_indices = #map}, {transform_indices = #map1}]} {
    %mul3A = arith.constant 16 : i32
    %mul3A_0 = arith.muli %arg0, %mul3A : i32
    %add3A = arith.addi %mul3A_0, %arg1 : i32
    %mul3A_1 = arith.constant 624 : i32
    %mul3A_2 = arith.muli %arg1, %mul3A_1 : i32
    %multiple_of3A = tpu.assume_multiple %mul3A_2, 8 : i32
    %mul3A_3 = arith.constant 10000 : i32
    %mul3A_4 = arith.muli %add3A, %mul3A_3 : i32
    %dma_start3A = arith.constant 0 : i32
    %dma_start3A_5 = arith.constant 0 : i32
    %dma_start3A_6 = tpu.memref_slice %arg3[%dma_start3A, %mul3A_4] : memref<2x320000xi32, #tpu.memory_space<hbm>> -> memref<1x10000xi32, #tpu.memory_space<hbm>>
    %dma_start3A_7 = tpu.memref_squeeze %dma_start3A_6 : memref<1x10000xi32, #tpu.memory_space<hbm>> -> memref<10000xi32, #tpu.memory_space<hbm>>
    %dma_start3A_8 = tpu.memref_slice %arg12[%dma_start3A_5] : memref<2x!tpu.dma_semaphore, #tpu.memory_space<semaphore_mem>> -> memref<1x!tpu.dma_semaphore, #tpu.memory_space<semaphore_mem>>
    %dma_start3A_9 = tpu.memref_squeeze %dma_start3A_8 : memref<1x!tpu.dma_semaphore, #tpu.memory_space<semaphore_mem>> -> memref<!tpu.dma_semaphore, #tpu.memory_space<semaphore_mem>>
    %dma_start3A_10 = tpu.memref_slice %arg3[%dma_start3A, %mul3A_4] : memref<2x320000xi32, #tpu.memory_space<hbm>> -> memref<1x10000xi32, #tpu.memory_space<hbm>>
    %dma_start3A_11 = tpu.memref_squeeze %dma_start3A_10 : memref<1x10000xi32, #tpu.memory_space<hbm>> -> memref<10000xi32, #tpu.memory_space<hbm>>
    tpu.enqueue_dma source(%dma_start3A_11 : memref<10000xi32, #tpu.memory_space<hbm>>) target(%arg6 : memref<10000xi32, #tpu.memory_space<vmem>>) target_semaphore(%dma_start3A_9 : memref<!tpu.dma_semaphore, #tpu.memory_space<semaphore_mem>>)
    %dma_start3A_12 = arith.constant 1 : i32
    %dma_start3A_13 = arith.constant 1 : i32
    %dma_start3A_14 = tpu.memref_slice %arg3[%dma_start3A_12, %mul3A_4] : memref<2x320000xi32, #tpu.memory_space<hbm>> -> memref<1x10000xi32, #tpu.memory_space<hbm>>
    %dma_start3A_15 = tpu.memref_squeeze %dma_start3A_14 : memref<1x10000xi32, #tpu.memory_space<hbm>> -> memref<10000xi32, #tpu.memory_space<hbm>>
    %dma_start3A_16 = tpu.memref_slice %arg12[%dma_start3A_13] : memref<2x!tpu.dma_semaphore, #tpu.memory_space<semaphore_mem>> -> memref<1x!tpu.dma_semaphore, #tpu.memory_space<semaphore_mem>>
    %dma_start3A_17 = tpu.memref_squeeze %dma_start3A_16 : memref<1x!tpu.dma_semaphore, #tpu.memory_space<semaphore_mem>> -> memref<!tpu.dma_semaphore, #tpu.memory_space<semaphore_mem>>
    %dma_start3A_18 = tpu.memref_slice %arg3[%dma_start3A_12, %mul3A_4] : memref<2x320000xi32, #tpu.memory_space<hbm>> -> memref<1x10000xi32, #tpu.memory_space<hbm>>
    %dma_start3A_19 = tpu.memref_squeeze %dma_start3A_18 : memref<1x10000xi32, #tpu.memory_space<hbm>> -> memref<10000xi32, #tpu.memory_space<hbm>>
    tpu.enqueue_dma source(%dma_start3A_19 : memref<10000xi32, #tpu.memory_space<hbm>>) target(%arg7 : memref<10000xi32, #tpu.memory_space<vmem>>) target_semaphore(%dma_start3A_17 : memref<!tpu.dma_semaphore, #tpu.memory_space<semaphore_mem>>)
    %dma_wait3A = arith.constant 0 : i32
    %dma_wait3A_20 = arith.constant 0 : i32
    %dma_wait3A_21 = tpu.memref_slice %arg3[%dma_wait3A, %mul3A_4] : memref<2x320000xi32, #tpu.memory_space<hbm>> -> memref<1x10000xi32, #tpu.memory_space<hbm>>
    %dma_wait3A_22 = tpu.memref_squeeze %dma_wait3A_21 : memref<1x10000xi32, #tpu.memory_space<hbm>> -> memref<10000xi32, #tpu.memory_space<hbm>>
    %dma_wait3A_23 = tpu.memref_slice %arg12[%dma_wait3A_20] : memref<2x!tpu.dma_semaphore, #tpu.memory_space<semaphore_mem>> -> memref<1x!tpu.dma_semaphore, #tpu.memory_space<semaphore_mem>>
    %dma_wait3A_24 = tpu.memref_squeeze %dma_wait3A_23 : memref<1x!tpu.dma_semaphore, #tpu.memory_space<semaphore_mem>> -> memref<!tpu.dma_semaphore, #tpu.memory_space<semaphore_mem>>
    %dma_wait3A_25 = tpu.memref_slice %arg3[%dma_wait3A, %mul3A_4] : memref<2x320000xi32, #tpu.memory_space<hbm>> -> memref<1x10000xi32, #tpu.memory_space<hbm>>
    %dma_wait3A_26 = tpu.memref_squeeze %dma_wait3A_25 : memref<1x10000xi32, #tpu.memory_space<hbm>> -> memref<10000xi32, #tpu.memory_space<hbm>>
    tpu.wait_dma2 semaphore(%dma_wait3A_24 : memref<!tpu.dma_semaphore, #tpu.memory_space<semaphore_mem>>) src(%dma_wait3A_26 : memref<10000xi32, #tpu.memory_space<hbm>>) dst(%arg6 : memref<10000xi32, #tpu.memory_space<vmem>>)
    %dma_start3A_27 = arith.constant 0 : i32
    %dma_start3A_28 = arith.constant 0 : i32
    %dma_start3A_29 = arith.constant 0 : i32
    %dma_start3A_30 = arith.constant 0 : i32
    %dma_start3A_31 = tpu.memref_slice %arg8[%dma_start3A_27, %dma_start3A_29, %dma_start3A_30] : memref<12x80x32xf32, #tpu.memory_space<vmem>> -> memref<1x80x32xf32, #tpu.memory_space<vmem>>
    %dma_start3A_32 = tpu.memref_squeeze %dma_start3A_31 : memref<1x80x32xf32, #tpu.memory_space<vmem>> -> memref<80x32xf32, #tpu.memory_space<vmem>>
    %dma_start3A_33 = arith.constant 0 : i32
    %dma_start3A_34 = tpu.memref_slice %arg6[%dma_start3A_33] : memref<10000xi32, #tpu.memory_space<vmem>> -> memref<80xi32, #tpu.memory_space<vmem>>
    %dma_start3A_35 = arith.constant 0 : i32
    %dma_start3A_36 = arith.constant 0 : i32
    %dma_start3A_37 = tpu.memref_slice %arg2[%dma_start3A_35, %dma_start3A_36] : memref<10000x32xf32, #tpu.memory_space<hbm>> -> memref<10000x32xf32, #tpu.memory_space<hbm>>
    %dma_start3A_38 = tpu.memref_slice %arg10[%dma_start3A_28] : memref<12x!tpu.dma_semaphore, #tpu.memory_space<semaphore_mem>> -> memref<1x!tpu.dma_semaphore, #tpu.memory_space<semaphore_mem>>
    %dma_start3A_39 = tpu.memref_squeeze %dma_start3A_38 : memref<1x!tpu.dma_semaphore, #tpu.memory_space<semaphore_mem>> -> memref<!tpu.dma_semaphore, #tpu.memory_space<semaphore_mem>>
    tpu.enqueue_indirect_dma source(%dma_start3A_37 : memref<10000x32xf32, #tpu.memory_space<hbm>>) target(%dma_start3A_32 : memref<80x32xf32, #tpu.memory_space<vmem>>) offsets(%dma_start3A_34 : memref<80xi32, #tpu.memory_space<vmem>>) semaphore(%dma_start3A_39 : memref<!tpu.dma_semaphore, #tpu.memory_space<semaphore_mem>>)
    %dma_start3A_40 = arith.constant 1 : i32
    %dma_start3A_41 = arith.constant 1 : i32
    %dma_start3A_42 = arith.constant 0 : i32
    %dma_start3A_43 = arith.constant 0 : i32
    %dma_start3A_44 = tpu.memref_slice %arg8[%dma_start3A_40, %dma_start3A_42, %dma_start3A_43] : memref<12x80x32xf32, #tpu.memory_space<vmem>> -> memref<1x80x32xf32, #tpu.memory_space<vmem>>
    %dma_start3A_45 = tpu.memref_squeeze %dma_start3A_44 : memref<1x80x32xf32, #tpu.memory_space<vmem>> -> memref<80x32xf32, #tpu.memory_space<vmem>>
    %dma_start3A_46 = arith.constant 80 : i32
    %dma_start3A_47 = tpu.memref_slice %arg6[%dma_start3A_46] : memref<10000xi32, #tpu.memory_space<vmem>> -> memref<80xi32, #tpu.memory_space<vmem>>
    %dma_start3A_48 = arith.constant 0 : i32
    %dma_start3A_49 = arith.constant 0 : i32
    %dma_start3A_50 = tpu.memref_slice %arg2[%dma_start3A_48, %dma_start3A_49] : memref<10000x32xf32, #tpu.memory_space<hbm>> -> memref<10000x32xf32, #tpu.memory_space<hbm>>
    %dma_start3A_51 = tpu.memref_slice %arg10[%dma_start3A_41] : memref<12x!tpu.dma_semaphore, #tpu.memory_space<semaphore_mem>> -> memref<1x!tpu.dma_semaphore, #tpu.memory_space<semaphore_mem>>
    %dma_start3A_52 = tpu.memref_squeeze %dma_start3A_51 : memref<1x!tpu.dma_semaphore, #tpu.memory_space<semaphore_mem>> -> memref<!tpu.dma_semaphore, #tpu.memory_space<semaphore_mem>>
    tpu.enqueue_indirect_dma source(%dma_start3A_50 : memref<10000x32xf32, #tpu.memory_space<hbm>>) target(%dma_start3A_45 : memref<80x32xf32, #tpu.memory_space<vmem>>) offsets(%dma_start3A_47 : memref<80xi32, #tpu.memory_space<vmem>>) semaphore(%dma_start3A_52 : memref<!tpu.dma_semaphore, #tpu.memory_space<semaphore_mem>>)
    %dma_start3A_53 = arith.constant 2 : i32
    %dma_start3A_54 = arith.constant 2 : i32
    %dma_start3A_55 = arith.constant 0 : i32
    %dma_start3A_56 = arith.constant 0 : i32
    %dma_start3A_57 = tpu.memref_slice %arg8[%dma_start3A_53, %dma_start3A_55, %dma_start3A_56] : memref<12x80x32xf32, #tpu.memory_space<vmem>> -> memref<1x80x32xf32, #tpu.memory_space<vmem>>
    %dma_start3A_58 = tpu.memref_squeeze %dma_start3A_57 : memref<1x80x32xf32, #tpu.memory_space<vmem>> -> memref<80x32xf32, #tpu.memory_space<vmem>>
    %dma_start3A_59 = arith.constant 160 : i32
    %dma_start3A_60 = tpu.memref_slice %arg6[%dma_start3A_59] : memref<10000xi32, #tpu.memory_space<vmem>> -> memref<80xi32, #tpu.memory_space<vmem>>
    %dma_start3A_61 = arith.constant 0 : i32
    %dma_start3A_62 = arith.constant 0 : i32
    %dma_start3A_63 = tpu.memref_slice %arg2[%dma_start3A_61, %dma_start3A_62] : memref<10000x32xf32, #tpu.memory_space<hbm>> -> memref<10000x32xf32, #tpu.memory_space<hbm>>
    %dma_start3A_64 = tpu.memref_slice %arg10[%dma_start3A_54] : memref<12x!tpu.dma_semaphore, #tpu.memory_space<semaphore_mem>> -> memref<1x!tpu.dma_semaphore, #tpu.memory_space<semaphore_mem>>
    %dma_start3A_65 = tpu.memref_squeeze %dma_start3A_64 : memref<1x!tpu.dma_semaphore, #tpu.memory_space<semaphore_mem>> -> memref<!tpu.dma_semaphore, #tpu.memory_space<semaphore_mem>>
    tpu.enqueue_indirect_dma source(%dma_start3A_63 : memref<10000x32xf32, #tpu.memory_space<hbm>>) target(%dma_start3A_58 : memref<80x32xf32, #tpu.memory_space<vmem>>) offsets(%dma_start3A_60 : memref<80xi32, #tpu.memory_space<vmem>>) semaphore(%dma_start3A_65 : memref<!tpu.dma_semaphore, #tpu.memory_space<semaphore_mem>>)
    %dma_start3A_66 = arith.constant 3 : i32
    %dma_start3A_67 = arith.constant 3 : i32
    %dma_start3A_68 = arith.constant 0 : i32
    %dma_start3A_69 = arith.constant 0 : i32
    %dma_start3A_70 = tpu.memref_slice %arg8[%dma_start3A_66, %dma_start3A_68, %dma_start3A_69] : memref<12x80x32xf32, #tpu.memory_space<vmem>> -> memref<1x80x32xf32, #tpu.memory_space<vmem>>
    %dma_start3A_71 = tpu.memref_squeeze %dma_start3A_70 : memref<1x80x32xf32, #tpu.memory_space<vmem>> -> memref<80x32xf32, #tpu.memory_space<vmem>>
    %dma_start3A_72 = arith.constant 240 : i32
    %dma_start3A_73 = tpu.memref_slice %arg6[%dma_start3A_72] : memref<10000xi32, #tpu.memory_space<vmem>> -> memref<80xi32, #tpu.memory_space<vmem>>
    %dma_start3A_74 = arith.constant 0 : i32
    %dma_start3A_75 = arith.constant 0 : i32
    %dma_start3A_76 = tpu.memref_slice %arg2[%dma_start3A_74, %dma_start3A_75] : memref<10000x32xf32, #tpu.memory_space<hbm>> -> memref<10000x32xf32, #tpu.memory_space<hbm>>
    %dma_start3A_77 = tpu.memref_slice %arg10[%dma_start3A_67] : memref<12x!tpu.dma_semaphore, #tpu.memory_space<semaphore_mem>> -> memref<1x!tpu.dma_semaphore, #tpu.memory_space<semaphore_mem>>
    %dma_start3A_78 = tpu.memref_squeeze %dma_start3A_77 : memref<1x!tpu.dma_semaphore, #tpu.memory_space<semaphore_mem>> -> memref<!tpu.dma_semaphore, #tpu.memory_space<semaphore_mem>>
    tpu.enqueue_indirect_dma source(%dma_start3A_76 : memref<10000x32xf32, #tpu.memory_space<hbm>>) target(%dma_start3A_71 : memref<80x32xf32, #tpu.memory_space<vmem>>) offsets(%dma_start3A_73 : memref<80xi32, #tpu.memory_space<vmem>>) semaphore(%dma_start3A_78 : memref<!tpu.dma_semaphore, #tpu.memory_space<semaphore_mem>>)
    %dma_start3A_79 = arith.constant 4 : i32
    %dma_start3A_80 = arith.constant 4 : i32
    %dma_start3A_81 = arith.constant 0 : i32
    %dma_start3A_82 = arith.constant 0 : i32
    %dma_start3A_83 = tpu.memref_slice %arg8[%dma_start3A_79, %dma_start3A_81, %dma_start3A_82] : memref<12x80x32xf32, #tpu.memory_space<vmem>> -> memref<1x80x32xf32, #tpu.memory_space<vmem>>
    %dma_start3A_84 = tpu.memref_squeeze %dma_start3A_83 : memref<1x80x32xf32, #tpu.memory_space<vmem>> -> memref<80x32xf32, #tpu.memory_space<vmem>>
    %dma_start3A_85 = arith.constant 320 : i32
    %dma_start3A_86 = tpu.memref_slice %arg6[%dma_start3A_85] : memref<10000xi32, #tpu.memory_space<vmem>> -> memref<80xi32, #tpu.memory_space<vmem>>
    %dma_start3A_87 = arith.constant 0 : i32
    %dma_start3A_88 = arith.constant 0 : i32
    %dma_start3A_89 = tpu.memref_slice %arg2[%dma_start3A_87, %dma_start3A_88] : memref<10000x32xf32, #tpu.memory_space<hbm>> -> memref<10000x32xf32, #tpu.memory_space<hbm>>
    %dma_start3A_90 = tpu.memref_slice %arg10[%dma_start3A_80] : memref<12x!tpu.dma_semaphore, #tpu.memory_space<semaphore_mem>> -> memref<1x!tpu.dma_semaphore, #tpu.memory_space<semaphore_mem>>
    %dma_start3A_91 = tpu.memref_squeeze %dma_start3A_90 : memref<1x!tpu.dma_semaphore, #tpu.memory_space<semaphore_mem>> -> memref<!tpu.dma_semaphore, #tpu.memory_space<semaphore_mem>>
    tpu.enqueue_indirect_dma source(%dma_start3A_89 : memref<10000x32xf32, #tpu.memory_space<hbm>>) target(%dma_start3A_84 : memref<80x32xf32, #tpu.memory_space<vmem>>) offsets(%dma_start3A_86 : memref<80xi32, #tpu.memory_space<vmem>>) semaphore(%dma_start3A_91 : memref<!tpu.dma_semaphore, #tpu.memory_space<semaphore_mem>>)
    %dma_start3A_92 = arith.constant 5 : i32
    %dma_start3A_93 = arith.constant 5 : i32
    %dma_start3A_94 = arith.constant 0 : i32
    %dma_start3A_95 = arith.constant 0 : i32
    %dma_start3A_96 = tpu.memref_slice %arg8[%dma_start3A_92, %dma_start3A_94, %dma_start3A_95] : memref<12x80x32xf32, #tpu.memory_space<vmem>> -> memref<1x80x32xf32, #tpu.memory_space<vmem>>
    %dma_start3A_97 = tpu.memref_squeeze %dma_start3A_96 : memref<1x80x32xf32, #tpu.memory_space<vmem>> -> memref<80x32xf32, #tpu.memory_space<vmem>>
    %dma_start3A_98 = arith.constant 400 : i32
    %dma_start3A_99 = tpu.memref_slice %arg6[%dma_start3A_98] : memref<10000xi32, #tpu.memory_space<vmem>> -> memref<80xi32, #tpu.memory_space<vmem>>
    %dma_start3A_100 = arith.constant 0 : i32
    %dma_start3A_101 = arith.constant 0 : i32
    %dma_start3A_102 = tpu.memref_slice %arg2[%dma_start3A_100, %dma_start3A_101] : memref<10000x32xf32, #tpu.memory_space<hbm>> -> memref<10000x32xf32, #tpu.memory_space<hbm>>
    %dma_start3A_103 = tpu.memref_slice %arg10[%dma_start3A_93] : memref<12x!tpu.dma_semaphore, #tpu.memory_space<semaphore_mem>> -> memref<1x!tpu.dma_semaphore, #tpu.memory_space<semaphore_mem>>
    %dma_start3A_104 = tpu.memref_squeeze %dma_start3A_103 : memref<1x!tpu.dma_semaphore, #tpu.memory_space<semaphore_mem>> -> memref<!tpu.dma_semaphore, #tpu.memory_space<semaphore_mem>>
    tpu.enqueue_indirect_dma source(%dma_start3A_102 : memref<10000x32xf32, #tpu.memory_space<hbm>>) target(%dma_start3A_97 : memref<80x32xf32, #tpu.memory_space<vmem>>) offsets(%dma_start3A_99 : memref<80xi32, #tpu.memory_space<vmem>>) semaphore(%dma_start3A_104 : memref<!tpu.dma_semaphore, #tpu.memory_space<semaphore_mem>>)
    %dma_start3A_105 = arith.constant 6 : i32
    %dma_start3A_106 = arith.constant 6 : i32
    %dma_start3A_107 = arith.constant 0 : i32
    %dma_start3A_108 = arith.constant 0 : i32
    %dma_start3A_109 = tpu.memref_slice %arg8[%dma_start3A_105, %dma_start3A_107, %dma_start3A_108] : memref<12x80x32xf32, #tpu.memory_space<vmem>> -> memref<1x80x32xf32, #tpu.memory_space<vmem>>
    %dma_start3A_110 = tpu.memref_squeeze %dma_start3A_109 : memref<1x80x32xf32, #tpu.memory_space<vmem>> -> memref<80x32xf32, #tpu.memory_space<vmem>>
    %dma_start3A_111 = arith.constant 480 : i32
    %dma_start3A_112 = tpu.memref_slice %arg6[%dma_start3A_111] : memref<10000xi32, #tpu.memory_space<vmem>> -> memref<80xi32, #tpu.memory_space<vmem>>
    %dma_start3A_113 = arith.constant 0 : i32
    %dma_start3A_114 = arith.constant 0 : i32
    %dma_start3A_115 = tpu.memref_slice %arg2[%dma_start3A_113, %dma_start3A_114] : memref<10000x32xf32, #tpu.memory_space<hbm>> -> memref<10000x32xf32, #tpu.memory_space<hbm>>
    %dma_start3A_116 = tpu.memref_slice %arg10[%dma_start3A_106] : memref<12x!tpu.dma_semaphore, #tpu.memory_space<semaphore_mem>> -> memref<1x!tpu.dma_semaphore, #tpu.memory_space<semaphore_mem>>
    %dma_start3A_117 = tpu.memref_squeeze %dma_start3A_116 : memref<1x!tpu.dma_semaphore, #tpu.memory_space<semaphore_mem>> -> memref<!tpu.dma_semaphore, #tpu.memory_space<semaphore_mem>>
    tpu.enqueue_indirect_dma source(%dma_start3A_115 : memref<10000x32xf32, #tpu.memory_space<hbm>>) target(%dma_start3A_110 : memref<80x32xf32, #tpu.memory_space<vmem>>) offsets(%dma_start3A_112 : memref<80xi32, #tpu.memory_space<vmem>>) semaphore(%dma_start3A_117 : memref<!tpu.dma_semaphore, #tpu.memory_space<semaphore_mem>>)
    %dma_start3A_118 = arith.constant 7 : i32
    %dma_start3A_119 = arith.constant 7 : i32
    %dma_start3A_120 = arith.constant 0 : i32
    %dma_start3A_121 = arith.constant 0 : i32
    %dma_start3A_122 = tpu.memref_slice %arg8[%dma_start3A_118, %dma_start3A_120, %dma_start3A_121] : memref<12x80x32xf32, #tpu.memory_space<vmem>> -> memref<1x80x32xf32, #tpu.memory_space<vmem>>
    %dma_start3A_123 = tpu.memref_squeeze %dma_start3A_122 : memref<1x80x32xf32, #tpu.memory_space<vmem>> -> memref<80x32xf32, #tpu.memory_space<vmem>>
    %dma_start3A_124 = arith.constant 560 : i32
    %dma_start3A_125 = tpu.memref_slice %arg6[%dma_start3A_124] : memref<10000xi32, #tpu.memory_space<vmem>> -> memref<80xi32, #tpu.memory_space<vmem>>
    %dma_start3A_126 = arith.constant 0 : i32
    %dma_start3A_127 = arith.constant 0 : i32
    %dma_start3A_128 = tpu.memref_slice %arg2[%dma_start3A_126, %dma_start3A_127] : memref<10000x32xf32, #tpu.memory_space<hbm>> -> memref<10000x32xf32, #tpu.memory_space<hbm>>
    %dma_start3A_129 = tpu.memref_slice %arg10[%dma_start3A_119] : memref<12x!tpu.dma_semaphore, #tpu.memory_space<semaphore_mem>> -> memref<1x!tpu.dma_semaphore, #tpu.memory_space<semaphore_mem>>
    %dma_start3A_130 = tpu.memref_squeeze %dma_start3A_129 : memref<1x!tpu.dma_semaphore, #tpu.memory_space<semaphore_mem>> -> memref<!tpu.dma_semaphore, #tpu.memory_space<semaphore_mem>>
    tpu.enqueue_indirect_dma source(%dma_start3A_128 : memref<10000x32xf32, #tpu.memory_space<hbm>>) target(%dma_start3A_123 : memref<80x32xf32, #tpu.memory_space<vmem>>) offsets(%dma_start3A_125 : memref<80xi32, #tpu.memory_space<vmem>>) semaphore(%dma_start3A_130 : memref<!tpu.dma_semaphore, #tpu.memory_space<semaphore_mem>>)
    %lt3A = arith.constant 15 : i32
    %lt3A_131 = arith.cmpi slt, %arg1, %lt3A : i32
    %convert_element_type3A = arith.extui %lt3A_131 : i1 to i32
    %cond3A = arith.constant 0 : i32
    %cond3A_132 = arith.cmpi ne, %convert_element_type3A, %cond3A : i32
    scf.if %cond3A_132 {
      "tpu.region"() ({
        %run_scoped3A = tpu.sem_alloc : memref<!tpu.dma_semaphore, #tpu.memory_space<semaphore_mem>>
        %dma_start3A_317 = arith.constant 0 : i32
        %dma_start3A_318 = tpu.memref_slice %arg9[%multiple_of3A, %dma_start3A_317] : memref<10000x32xf32, #tpu.memory_space<vmem_shared>> -> memref<624x32xf32, #tpu.memory_space<vmem_shared>>
        %dma_start3A_319 = arith.constant 0 : i32
        %dma_start3A_320 = tpu.memref_slice %arg4[%multiple_of3A, %dma_start3A_319] : memref<10000x32xf32, #tpu.memory_space<hbm>> -> memref<624x32xf32, #tpu.memory_space<hbm>>
        tpu.enqueue_dma source(%dma_start3A_320 : memref<624x32xf32, #tpu.memory_space<hbm>>) target(%dma_start3A_318 : memref<624x32xf32, #tpu.memory_space<vmem_shared>>) target_semaphore(%run_scoped3A : memref<!tpu.dma_semaphore, #tpu.memory_space<semaphore_mem>>)
        %dma_wait3A_321 = arith.constant 0 : i32
        %dma_wait3A_322 = tpu.memref_slice %arg9[%multiple_of3A, %dma_wait3A_321] : memref<10000x32xf32, #tpu.memory_space<vmem_shared>> -> memref<624x32xf32, #tpu.memory_space<vmem_shared>>
        %dma_wait3A_323 = arith.constant 0 : i32
        %dma_wait3A_324 = tpu.memref_slice %arg4[%multiple_of3A, %dma_wait3A_323] : memref<10000x32xf32, #tpu.memory_space<hbm>> -> memref<624x32xf32, #tpu.memory_space<hbm>>
        tpu.wait_dma2 semaphore(%run_scoped3A : memref<!tpu.dma_semaphore, #tpu.memory_space<semaphore_mem>>) src(%dma_wait3A_324 : memref<624x32xf32, #tpu.memory_space<hbm>>) dst(%dma_wait3A_322 : memref<624x32xf32, #tpu.memory_space<vmem_shared>>)
        tpu.yield
      }) : () -> ()
    } else {
    }
    %eq3A = arith.constant 15 : i32
    %eq3A_133 = arith.cmpi eq, %arg1, %eq3A : i32
    %convert_element_type3A_134 = arith.extui %eq3A_133 : i1 to i32
    %cond3A_135 = arith.constant 0 : i32
    %cond3A_136 = arith.cmpi ne, %convert_element_type3A_134, %cond3A_135 : i32
    scf.if %cond3A_136 {
      "tpu.region"() ({
        %run_scoped3A = tpu.sem_alloc : memref<!tpu.dma_semaphore, #tpu.memory_space<semaphore_mem>>
        %dma_start3A_317 = arith.constant 9360 : i32
        %dma_start3A_318 = arith.constant 0 : i32
        %dma_start3A_319 = tpu.memref_slice %arg9[%dma_start3A_317, %dma_start3A_318] : memref<10000x32xf32, #tpu.memory_space<vmem_shared>> -> memref<640x32xf32, #tpu.memory_space<vmem_shared>>
        %dma_start3A_320 = arith.constant 9360 : i32
        %dma_start3A_321 = arith.constant 0 : i32
        %dma_start3A_322 = tpu.memref_slice %arg4[%dma_start3A_320, %dma_start3A_321] : memref<10000x32xf32, #tpu.memory_space<hbm>> -> memref<640x32xf32, #tpu.memory_space<hbm>>
        tpu.enqueue_dma source(%dma_start3A_322 : memref<640x32xf32, #tpu.memory_space<hbm>>) target(%dma_start3A_319 : memref<640x32xf32, #tpu.memory_space<vmem_shared>>) target_semaphore(%run_scoped3A : memref<!tpu.dma_semaphore, #tpu.memory_space<semaphore_mem>>)
        %dma_wait3A_323 = arith.constant 9360 : i32
        %dma_wait3A_324 = arith.constant 0 : i32
        %dma_wait3A_325 = tpu.memref_slice %arg9[%dma_wait3A_323, %dma_wait3A_324] : memref<10000x32xf32, #tpu.memory_space<vmem_shared>> -> memref<640x32xf32, #tpu.memory_space<vmem_shared>>
        %dma_wait3A_326 = arith.constant 9360 : i32
        %dma_wait3A_327 = arith.constant 0 : i32
        %dma_wait3A_328 = tpu.memref_slice %arg4[%dma_wait3A_326, %dma_wait3A_327] : memref<10000x32xf32, #tpu.memory_space<hbm>> -> memref<640x32xf32, #tpu.memory_space<hbm>>
        tpu.wait_dma2 semaphore(%run_scoped3A : memref<!tpu.dma_semaphore, #tpu.memory_space<semaphore_mem>>) src(%dma_wait3A_328 : memref<640x32xf32, #tpu.memory_space<hbm>>) dst(%dma_wait3A_325 : memref<640x32xf32, #tpu.memory_space<vmem_shared>>)
        tpu.yield
      }) : () -> ()
    } else {
    }
    %dma_wait3A_137 = arith.constant 1 : i32
    %dma_wait3A_138 = arith.constant 1 : i32
    %dma_wait3A_139 = tpu.memref_slice %arg3[%dma_wait3A_137, %mul3A_4] : memref<2x320000xi32, #tpu.memory_space<hbm>> -> memref<1x10000xi32, #tpu.memory_space<hbm>>
    %dma_wait3A_140 = tpu.memref_squeeze %dma_wait3A_139 : memref<1x10000xi32, #tpu.memory_space<hbm>> -> memref<10000xi32, #tpu.memory_space<hbm>>
    %dma_wait3A_141 = tpu.memref_slice %arg12[%dma_wait3A_138] : memref<2x!tpu.dma_semaphore, #tpu.memory_space<semaphore_mem>> -> memref<1x!tpu.dma_semaphore, #tpu.memory_space<semaphore_mem>>
    %dma_wait3A_142 = tpu.memref_squeeze %dma_wait3A_141 : memref<1x!tpu.dma_semaphore, #tpu.memory_space<semaphore_mem>> -> memref<!tpu.dma_semaphore, #tpu.memory_space<semaphore_mem>>
    %dma_wait3A_143 = tpu.memref_slice %arg3[%dma_wait3A_137, %mul3A_4] : memref<2x320000xi32, #tpu.memory_space<hbm>> -> memref<1x10000xi32, #tpu.memory_space<hbm>>
    %dma_wait3A_144 = tpu.memref_squeeze %dma_wait3A_143 : memref<1x10000xi32, #tpu.memory_space<hbm>> -> memref<10000xi32, #tpu.memory_space<hbm>>
    tpu.wait_dma2 semaphore(%dma_wait3A_142 : memref<!tpu.dma_semaphore, #tpu.memory_space<semaphore_mem>>) src(%dma_wait3A_144 : memref<10000xi32, #tpu.memory_space<hbm>>) dst(%arg7 : memref<10000xi32, #tpu.memory_space<vmem>>)
    %barrier3A = arith.constant 0 : index
    tpu.barrier barrier_id(%barrier3A)
    %scan3A = arith.constant 0 : i32
    %scan3A_145 = arith.constant 0 : i32
    %scan3A_146 = arith.constant 125 : i32
    %scan3A_147 = arith.addi %scan3A_145, %scan3A_146 : i32
    %scan3A_148 = arith.constant 1 : i32
    scf.for %scan3A_317 = %scan3A_145 to %scan3A_147 step %scan3A_148  : i32 {
      %rem3A = arith.constant 12 : i32
      %rem3A_318 = arith.remsi %scan3A_317, %rem3A : i32
      %mul3A_319 = arith.constant 80 : i32
      %mul3A_320 = arith.muli %scan3A_317, %mul3A_319 : i32
      %dma_wait3A_321 = arith.constant 0 : i32
      %dma_wait3A_322 = arith.constant 0 : i32
      %dma_wait3A_323 = tpu.memref_slice %arg8[%rem3A_318, %dma_wait3A_321, %dma_wait3A_322] : memref<12x80x32xf32, #tpu.memory_space<vmem>> -> memref<1x80x32xf32, #tpu.memory_space<vmem>>
      %dma_wait3A_324 = tpu.memref_squeeze %dma_wait3A_323 : memref<1x80x32xf32, #tpu.memory_space<vmem>> -> memref<80x32xf32, #tpu.memory_space<vmem>>
      %dma_wait3A_325 = tpu.memref_slice %arg6[%mul3A_320] : memref<10000xi32, #tpu.memory_space<vmem>> -> memref<80xi32, #tpu.memory_space<vmem>>
      %dma_wait3A_326 = arith.constant 0 : i32
      %dma_wait3A_327 = arith.constant 0 : i32
      %dma_wait3A_328 = tpu.memref_slice %arg2[%dma_wait3A_326, %dma_wait3A_327] : memref<10000x32xf32, #tpu.memory_space<hbm>> -> memref<10000x32xf32, #tpu.memory_space<hbm>>
      %dma_wait3A_329 = tpu.memref_slice %arg10[%rem3A_318] : memref<12x!tpu.dma_semaphore, #tpu.memory_space<semaphore_mem>> -> memref<1x!tpu.dma_semaphore, #tpu.memory_space<semaphore_mem>>
      %dma_wait3A_330 = tpu.memref_squeeze %dma_wait3A_329 : memref<1x!tpu.dma_semaphore, #tpu.memory_space<semaphore_mem>> -> memref<!tpu.dma_semaphore, #tpu.memory_space<semaphore_mem>>
      tpu.wait_indirect_dma semaphore(%dma_wait3A_330 : memref<!tpu.dma_semaphore, #tpu.memory_space<semaphore_mem>>) src(%dma_wait3A_328 : memref<10000x32xf32, #tpu.memory_space<hbm>>) dst(%dma_wait3A_324 : memref<80x32xf32, #tpu.memory_space<vmem>>)
      %mul3A_331 = arith.constant 80 : i32
      %mul3A_332 = arith.muli %scan3A_317, %mul3A_331 : i32
      %dma_start3A_333 = arith.constant 0 : i32
      %dma_start3A_334 = arith.constant 0 : i32
      %dma_start3A_335 = tpu.memref_slice %arg8[%rem3A_318, %dma_start3A_333, %dma_start3A_334] : memref<12x80x32xf32, #tpu.memory_space<vmem>> -> memref<1x80x32xf32, #tpu.memory_space<vmem>>
      %dma_start3A_336 = tpu.memref_squeeze %dma_start3A_335 : memref<1x80x32xf32, #tpu.memory_space<vmem>> -> memref<80x32xf32, #tpu.memory_space<vmem>>
      %dma_start3A_337 = tpu.memref_slice %arg7[%mul3A_332] : memref<10000xi32, #tpu.memory_space<vmem>> -> memref<80xi32, #tpu.memory_space<vmem>>
      %dma_start3A_338 = arith.constant 0 : i32
      %dma_start3A_339 = arith.constant 0 : i32
      %dma_start3A_340 = tpu.memref_slice %arg9[%dma_start3A_338, %dma_start3A_339] : memref<10000x32xf32, #tpu.memory_space<vmem_shared>> -> memref<10000x32xf32, #tpu.memory_space<vmem_shared>>
      %dma_start3A_341 = tpu.memref_slice %arg11[%rem3A_318] : memref<12x!tpu.dma_semaphore, #tpu.memory_space<semaphore_mem>> -> memref<1x!tpu.dma_semaphore, #tpu.memory_space<semaphore_mem>>
      %dma_start3A_342 = tpu.memref_squeeze %dma_start3A_341 : memref<1x!tpu.dma_semaphore, #tpu.memory_space<semaphore_mem>> -> memref<!tpu.dma_semaphore, #tpu.memory_space<semaphore_mem>>
      tpu.enqueue_indirect_dma source(%dma_start3A_336 : memref<80x32xf32, #tpu.memory_space<vmem>>) target(%dma_start3A_340 : memref<10000x32xf32, #tpu.memory_space<vmem_shared>>) offsets(%dma_start3A_337 : memref<80xi32, #tpu.memory_space<vmem>>) semaphore(%dma_start3A_342 : memref<!tpu.dma_semaphore, #tpu.memory_space<semaphore_mem>>) {add = true}
      %add3A_343 = arith.constant 8 : i32
      %add3A_344 = arith.addi %scan3A_317, %add3A_343 : i32
      %rem3A_345 = arith.constant 12 : i32
      %rem3A_346 = arith.remsi %add3A_344, %rem3A_345 : i32
      %ge3A = arith.constant 12 : i32
      %ge3A_347 = arith.cmpi sge, %add3A_344, %ge3A : i32
      %lt3A_348 = arith.constant 125 : i32
      %lt3A_349 = arith.cmpi slt, %add3A_344, %lt3A_348 : i32
      %and3A = arith.andi %ge3A_347, %lt3A_349 : i1
      %convert_element_type3A_350 = arith.extui %and3A : i1 to i32
      %cond3A_351 = arith.constant 0 : i32
      %cond3A_352 = arith.cmpi ne, %convert_element_type3A_350, %cond3A_351 : i32
      scf.if %cond3A_352 {
        %sub3A = arith.constant 12 : i32
        %sub3A_358 = arith.subi %add3A_344, %sub3A : i32
        %mul3A_359 = arith.constant 80 : i32
        %mul3A_360 = arith.muli %sub3A_358, %mul3A_359 : i32
        %dma_wait3A_361 = arith.constant 0 : i32
        %dma_wait3A_362 = arith.constant 0 : i32
        %dma_wait3A_363 = tpu.memref_slice %arg8[%rem3A_346, %dma_wait3A_361, %dma_wait3A_362] : memref<12x80x32xf32, #tpu.memory_space<vmem>> -> memref<1x80x32xf32, #tpu.memory_space<vmem>>
        %dma_wait3A_364 = tpu.memref_squeeze %dma_wait3A_363 : memref<1x80x32xf32, #tpu.memory_space<vmem>> -> memref<80x32xf32, #tpu.memory_space<vmem>>
        %dma_wait3A_365 = tpu.memref_slice %arg7[%mul3A_360] : memref<10000xi32, #tpu.memory_space<vmem>> -> memref<80xi32, #tpu.memory_space<vmem>>
        %dma_wait3A_366 = arith.constant 0 : i32
        %dma_wait3A_367 = arith.constant 0 : i32
        %dma_wait3A_368 = tpu.memref_slice %arg9[%dma_wait3A_366, %dma_wait3A_367] : memref<10000x32xf32, #tpu.memory_space<vmem_shared>> -> memref<10000x32xf32, #tpu.memory_space<vmem_shared>>
        %dma_wait3A_369 = tpu.memref_slice %arg11[%rem3A_346] : memref<12x!tpu.dma_semaphore, #tpu.memory_space<semaphore_mem>> -> memref<1x!tpu.dma_semaphore, #tpu.memory_space<semaphore_mem>>
        %dma_wait3A_370 = tpu.memref_squeeze %dma_wait3A_369 : memref<1x!tpu.dma_semaphore, #tpu.memory_space<semaphore_mem>> -> memref<!tpu.dma_semaphore, #tpu.memory_space<semaphore_mem>>
        tpu.wait_indirect_dma semaphore(%dma_wait3A_370 : memref<!tpu.dma_semaphore, #tpu.memory_space<semaphore_mem>>) src(%dma_wait3A_364 : memref<80x32xf32, #tpu.memory_space<vmem>>) dst(%dma_wait3A_368 : memref<10000x32xf32, #tpu.memory_space<vmem_shared>>)
      } else {
      }
      %lt3A_353 = arith.constant 125 : i32
      %lt3A_354 = arith.cmpi slt, %add3A_344, %lt3A_353 : i32
      %convert_element_type3A_355 = arith.extui %lt3A_354 : i1 to i32
      %cond3A_356 = arith.constant 0 : i32
      %cond3A_357 = arith.cmpi ne, %convert_element_type3A_355, %cond3A_356 : i32
      scf.if %cond3A_357 {
        %mul3A_358 = arith.constant 80 : i32
        %mul3A_359 = arith.muli %add3A_344, %mul3A_358 : i32
        %dma_start3A_360 = arith.constant 0 : i32
        %dma_start3A_361 = arith.constant 0 : i32
        %dma_start3A_362 = tpu.memref_slice %arg8[%rem3A_346, %dma_start3A_360, %dma_start3A_361] : memref<12x80x32xf32, #tpu.memory_space<vmem>> -> memref<1x80x32xf32, #tpu.memory_space<vmem>>
        %dma_start3A_363 = tpu.memref_squeeze %dma_start3A_362 : memref<1x80x32xf32, #tpu.memory_space<vmem>> -> memref<80x32xf32, #tpu.memory_space<vmem>>
        %dma_start3A_364 = tpu.memref_slice %arg6[%mul3A_359] : memref<10000xi32, #tpu.memory_space<vmem>> -> memref<80xi32, #tpu.memory_space<vmem>>
        %dma_start3A_365 = arith.constant 0 : i32
        %dma_start3A_366 = arith.constant 0 : i32
        %dma_start3A_367 = tpu.memref_slice %arg2[%dma_start3A_365, %dma_start3A_366] : memref<10000x32xf32, #tpu.memory_space<hbm>> -> memref<10000x32xf32, #tpu.memory_space<hbm>>
        %dma_start3A_368 = tpu.memref_slice %arg10[%rem3A_346] : memref<12x!tpu.dma_semaphore, #tpu.memory_space<semaphore_mem>> -> memref<1x!tpu.dma_semaphore, #tpu.memory_space<semaphore_mem>>
        %dma_start3A_369 = tpu.memref_squeeze %dma_start3A_368 : memref<1x!tpu.dma_semaphore, #tpu.memory_space<semaphore_mem>> -> memref<!tpu.dma_semaphore, #tpu.memory_space<semaphore_mem>>
        tpu.enqueue_indirect_dma source(%dma_start3A_367 : memref<10000x32xf32, #tpu.memory_space<hbm>>) target(%dma_start3A_363 : memref<80x32xf32, #tpu.memory_space<vmem>>) offsets(%dma_start3A_364 : memref<80xi32, #tpu.memory_space<vmem>>) semaphore(%dma_start3A_369 : memref<!tpu.dma_semaphore, #tpu.memory_space<semaphore_mem>>)
      } else {
      }
    }
    %scan3A_149 = arith.constant 125 : i32
    %dma_wait3A_150 = arith.constant 5 : i32
    %dma_wait3A_151 = arith.constant 5 : i32
    %dma_wait3A_152 = arith.constant 0 : i32
    %dma_wait3A_153 = arith.constant 0 : i32
    %dma_wait3A_154 = tpu.memref_slice %arg8[%dma_wait3A_150, %dma_wait3A_152, %dma_wait3A_153] : memref<12x80x32xf32, #tpu.memory_space<vmem>> -> memref<1x80x32xf32, #tpu.memory_space<vmem>>
    %dma_wait3A_155 = tpu.memref_squeeze %dma_wait3A_154 : memref<1x80x32xf32, #tpu.memory_space<vmem>> -> memref<80x32xf32, #tpu.memory_space<vmem>>
    %dma_wait3A_156 = arith.constant 9040 : i32
    %dma_wait3A_157 = tpu.memref_slice %arg7[%dma_wait3A_156] : memref<10000xi32, #tpu.memory_space<vmem>> -> memref<80xi32, #tpu.memory_space<vmem>>
    %dma_wait3A_158 = arith.constant 0 : i32
    %dma_wait3A_159 = arith.constant 0 : i32
    %dma_wait3A_160 = tpu.memref_slice %arg9[%dma_wait3A_158, %dma_wait3A_159] : memref<10000x32xf32, #tpu.memory_space<vmem_shared>> -> memref<10000x32xf32, #tpu.memory_space<vmem_shared>>
    %dma_wait3A_161 = tpu.memref_slice %arg11[%dma_wait3A_151] : memref<12x!tpu.dma_semaphore, #tpu.memory_space<semaphore_mem>> -> memref<1x!tpu.dma_semaphore, #tpu.memory_space<semaphore_mem>>
    %dma_wait3A_162 = tpu.memref_squeeze %dma_wait3A_161 : memref<1x!tpu.dma_semaphore, #tpu.memory_space<semaphore_mem>> -> memref<!tpu.dma_semaphore, #tpu.memory_space<semaphore_mem>>
    tpu.wait_indirect_dma semaphore(%dma_wait3A_162 : memref<!tpu.dma_semaphore, #tpu.memory_space<semaphore_mem>>) src(%dma_wait3A_155 : memref<80x32xf32, #tpu.memory_space<vmem>>) dst(%dma_wait3A_160 : memref<10000x32xf32, #tpu.memory_space<vmem_shared>>)
    %dma_wait3A_163 = arith.constant 6 : i32
    %dma_wait3A_164 = arith.constant 6 : i32
    %dma_wait3A_165 = arith.constant 0 : i32
    %dma_wait3A_166 = arith.constant 0 : i32
    %dma_wait3A_167 = tpu.memref_slice %arg8[%dma_wait3A_163, %dma_wait3A_165, %dma_wait3A_166] : memref<12x80x32xf32, #tpu.memory_space<vmem>> -> memref<1x80x32xf32, #tpu.memory_space<vmem>>
    %dma_wait3A_168 = tpu.memref_squeeze %dma_wait3A_167 : memref<1x80x32xf32, #tpu.memory_space<vmem>> -> memref<80x32xf32, #tpu.memory_space<vmem>>
    %dma_wait3A_169 = arith.constant 9120 : i32
    %dma_wait3A_170 = tpu.memref_slice %arg7[%dma_wait3A_169] : memref<10000xi32, #tpu.memory_space<vmem>> -> memref<80xi32, #tpu.memory_space<vmem>>
    %dma_wait3A_171 = arith.constant 0 : i32
    %dma_wait3A_172 = arith.constant 0 : i32
    %dma_wait3A_173 = tpu.memref_slice %arg9[%dma_wait3A_171, %dma_wait3A_172] : memref<10000x32xf32, #tpu.memory_space<vmem_shared>> -> memref<10000x32xf32, #tpu.memory_space<vmem_shared>>
    %dma_wait3A_174 = tpu.memref_slice %arg11[%dma_wait3A_164] : memref<12x!tpu.dma_semaphore, #tpu.memory_space<semaphore_mem>> -> memref<1x!tpu.dma_semaphore, #tpu.memory_space<semaphore_mem>>
    %dma_wait3A_175 = tpu.memref_squeeze %dma_wait3A_174 : memref<1x!tpu.dma_semaphore, #tpu.memory_space<semaphore_mem>> -> memref<!tpu.dma_semaphore, #tpu.memory_space<semaphore_mem>>
    tpu.wait_indirect_dma semaphore(%dma_wait3A_175 : memref<!tpu.dma_semaphore, #tpu.memory_space<semaphore_mem>>) src(%dma_wait3A_168 : memref<80x32xf32, #tpu.memory_space<vmem>>) dst(%dma_wait3A_173 : memref<10000x32xf32, #tpu.memory_space<vmem_shared>>)
    %dma_wait3A_176 = arith.constant 7 : i32
    %dma_wait3A_177 = arith.constant 7 : i32
    %dma_wait3A_178 = arith.constant 0 : i32
    %dma_wait3A_179 = arith.constant 0 : i32
    %dma_wait3A_180 = tpu.memref_slice %arg8[%dma_wait3A_176, %dma_wait3A_178, %dma_wait3A_179] : memref<12x80x32xf32, #tpu.memory_space<vmem>> -> memref<1x80x32xf32, #tpu.memory_space<vmem>>
    %dma_wait3A_181 = tpu.memref_squeeze %dma_wait3A_180 : memref<1x80x32xf32, #tpu.memory_space<vmem>> -> memref<80x32xf32, #tpu.memory_space<vmem>>
    %dma_wait3A_182 = arith.constant 9200 : i32
    %dma_wait3A_183 = tpu.memref_slice %arg7[%dma_wait3A_182] : memref<10000xi32, #tpu.memory_space<vmem>> -> memref<80xi32, #tpu.memory_space<vmem>>
    %dma_wait3A_184 = arith.constant 0 : i32
    %dma_wait3A_185 = arith.constant 0 : i32
    %dma_wait3A_186 = tpu.memref_slice %arg9[%dma_wait3A_184, %dma_wait3A_185] : memref<10000x32xf32, #tpu.memory_space<vmem_shared>> -> memref<10000x32xf32, #tpu.memory_space<vmem_shared>>
    %dma_wait3A_187 = tpu.memref_slice %arg11[%dma_wait3A_177] : memref<12x!tpu.dma_semaphore, #tpu.memory_space<semaphore_mem>> -> memref<1x!tpu.dma_semaphore, #tpu.memory_space<semaphore_mem>>
    %dma_wait3A_188 = tpu.memref_squeeze %dma_wait3A_187 : memref<1x!tpu.dma_semaphore, #tpu.memory_space<semaphore_mem>> -> memref<!tpu.dma_semaphore, #tpu.memory_space<semaphore_mem>>
    tpu.wait_indirect_dma semaphore(%dma_wait3A_188 : memref<!tpu.dma_semaphore, #tpu.memory_space<semaphore_mem>>) src(%dma_wait3A_181 : memref<80x32xf32, #tpu.memory_space<vmem>>) dst(%dma_wait3A_186 : memref<10000x32xf32, #tpu.memory_space<vmem_shared>>)
    %dma_wait3A_189 = arith.constant 8 : i32
    %dma_wait3A_190 = arith.constant 8 : i32
    %dma_wait3A_191 = arith.constant 0 : i32
    %dma_wait3A_192 = arith.constant 0 : i32
    %dma_wait3A_193 = tpu.memref_slice %arg8[%dma_wait3A_189, %dma_wait3A_191, %dma_wait3A_192] : memref<12x80x32xf32, #tpu.memory_space<vmem>> -> memref<1x80x32xf32, #tpu.memory_space<vmem>>
    %dma_wait3A_194 = tpu.memref_squeeze %dma_wait3A_193 : memref<1x80x32xf32, #tpu.memory_space<vmem>> -> memref<80x32xf32, #tpu.memory_space<vmem>>
    %dma_wait3A_195 = arith.constant 9280 : i32
    %dma_wait3A_196 = tpu.memref_slice %arg7[%dma_wait3A_195] : memref<10000xi32, #tpu.memory_space<vmem>> -> memref<80xi32, #tpu.memory_space<vmem>>
    %dma_wait3A_197 = arith.constant 0 : i32
    %dma_wait3A_198 = arith.constant 0 : i32
    %dma_wait3A_199 = tpu.memref_slice %arg9[%dma_wait3A_197, %dma_wait3A_198] : memref<10000x32xf32, #tpu.memory_space<vmem_shared>> -> memref<10000x32xf32, #tpu.memory_space<vmem_shared>>
    %dma_wait3A_200 = tpu.memref_slice %arg11[%dma_wait3A_190] : memref<12x!tpu.dma_semaphore, #tpu.memory_space<semaphore_mem>> -> memref<1x!tpu.dma_semaphore, #tpu.memory_space<semaphore_mem>>
    %dma_wait3A_201 = tpu.memref_squeeze %dma_wait3A_200 : memref<1x!tpu.dma_semaphore, #tpu.memory_space<semaphore_mem>> -> memref<!tpu.dma_semaphore, #tpu.memory_space<semaphore_mem>>
    tpu.wait_indirect_dma semaphore(%dma_wait3A_201 : memref<!tpu.dma_semaphore, #tpu.memory_space<semaphore_mem>>) src(%dma_wait3A_194 : memref<80x32xf32, #tpu.memory_space<vmem>>) dst(%dma_wait3A_199 : memref<10000x32xf32, #tpu.memory_space<vmem_shared>>)
    %dma_wait3A_202 = arith.constant 9 : i32
    %dma_wait3A_203 = arith.constant 9 : i32
    %dma_wait3A_204 = arith.constant 0 : i32
    %dma_wait3A_205 = arith.constant 0 : i32
    %dma_wait3A_206 = tpu.memref_slice %arg8[%dma_wait3A_202, %dma_wait3A_204, %dma_wait3A_205] : memref<12x80x32xf32, #tpu.memory_space<vmem>> -> memref<1x80x32xf32, #tpu.memory_space<vmem>>
    %dma_wait3A_207 = tpu.memref_squeeze %dma_wait3A_206 : memref<1x80x32xf32, #tpu.memory_space<vmem>> -> memref<80x32xf32, #tpu.memory_space<vmem>>
    %dma_wait3A_208 = arith.constant 9360 : i32
    %dma_wait3A_209 = tpu.memref_slice %arg7[%dma_wait3A_208] : memref<10000xi32, #tpu.memory_space<vmem>> -> memref<80xi32, #tpu.memory_space<vmem>>
    %dma_wait3A_210 = arith.constant 0 : i32
    %dma_wait3A_211 = arith.constant 0 : i32
    %dma_wait3A_212 = tpu.memref_slice %arg9[%dma_wait3A_210, %dma_wait3A_211] : memref<10000x32xf32, #tpu.memory_space<vmem_shared>> -> memref<10000x32xf32, #tpu.memory_space<vmem_shared>>
    %dma_wait3A_213 = tpu.memref_slice %arg11[%dma_wait3A_203] : memref<12x!tpu.dma_semaphore, #tpu.memory_space<semaphore_mem>> -> memref<1x!tpu.dma_semaphore, #tpu.memory_space<semaphore_mem>>
    %dma_wait3A_214 = tpu.memref_squeeze %dma_wait3A_213 : memref<1x!tpu.dma_semaphore, #tpu.memory_space<semaphore_mem>> -> memref<!tpu.dma_semaphore, #tpu.memory_space<semaphore_mem>>
    tpu.wait_indirect_dma semaphore(%dma_wait3A_214 : memref<!tpu.dma_semaphore, #tpu.memory_space<semaphore_mem>>) src(%dma_wait3A_207 : memref<80x32xf32, #tpu.memory_space<vmem>>) dst(%dma_wait3A_212 : memref<10000x32xf32, #tpu.memory_space<vmem_shared>>)
    %dma_wait3A_215 = arith.constant 10 : i32
    %dma_wait3A_216 = arith.constant 10 : i32
    %dma_wait3A_217 = arith.constant 0 : i32
    %dma_wait3A_218 = arith.constant 0 : i32
    %dma_wait3A_219 = tpu.memref_slice %arg8[%dma_wait3A_215, %dma_wait3A_217, %dma_wait3A_218] : memref<12x80x32xf32, #tpu.memory_space<vmem>> -> memref<1x80x32xf32, #tpu.memory_space<vmem>>
    %dma_wait3A_220 = tpu.memref_squeeze %dma_wait3A_219 : memref<1x80x32xf32, #tpu.memory_space<vmem>> -> memref<80x32xf32, #tpu.memory_space<vmem>>
    %dma_wait3A_221 = arith.constant 9440 : i32
    %dma_wait3A_222 = tpu.memref_slice %arg7[%dma_wait3A_221] : memref<10000xi32, #tpu.memory_space<vmem>> -> memref<80xi32, #tpu.memory_space<vmem>>
    %dma_wait3A_223 = arith.constant 0 : i32
    %dma_wait3A_224 = arith.constant 0 : i32
    %dma_wait3A_225 = tpu.memref_slice %arg9[%dma_wait3A_223, %dma_wait3A_224] : memref<10000x32xf32, #tpu.memory_space<vmem_shared>> -> memref<10000x32xf32, #tpu.memory_space<vmem_shared>>
    %dma_wait3A_226 = tpu.memref_slice %arg11[%dma_wait3A_216] : memref<12x!tpu.dma_semaphore, #tpu.memory_space<semaphore_mem>> -> memref<1x!tpu.dma_semaphore, #tpu.memory_space<semaphore_mem>>
    %dma_wait3A_227 = tpu.memref_squeeze %dma_wait3A_226 : memref<1x!tpu.dma_semaphore, #tpu.memory_space<semaphore_mem>> -> memref<!tpu.dma_semaphore, #tpu.memory_space<semaphore_mem>>
    tpu.wait_indirect_dma semaphore(%dma_wait3A_227 : memref<!tpu.dma_semaphore, #tpu.memory_space<semaphore_mem>>) src(%dma_wait3A_220 : memref<80x32xf32, #tpu.memory_space<vmem>>) dst(%dma_wait3A_225 : memref<10000x32xf32, #tpu.memory_space<vmem_shared>>)
    %dma_wait3A_228 = arith.constant 11 : i32
    %dma_wait3A_229 = arith.constant 11 : i32
    %dma_wait3A_230 = arith.constant 0 : i32
    %dma_wait3A_231 = arith.constant 0 : i32
    %dma_wait3A_232 = tpu.memref_slice %arg8[%dma_wait3A_228, %dma_wait3A_230, %dma_wait3A_231] : memref<12x80x32xf32, #tpu.memory_space<vmem>> -> memref<1x80x32xf32, #tpu.memory_space<vmem>>
    %dma_wait3A_233 = tpu.memref_squeeze %dma_wait3A_232 : memref<1x80x32xf32, #tpu.memory_space<vmem>> -> memref<80x32xf32, #tpu.memory_space<vmem>>
    %dma_wait3A_234 = arith.constant 9520 : i32
    %dma_wait3A_235 = tpu.memref_slice %arg7[%dma_wait3A_234] : memref<10000xi32, #tpu.memory_space<vmem>> -> memref<80xi32, #tpu.memory_space<vmem>>
    %dma_wait3A_236 = arith.constant 0 : i32
    %dma_wait3A_237 = arith.constant 0 : i32
    %dma_wait3A_238 = tpu.memref_slice %arg9[%dma_wait3A_236, %dma_wait3A_237] : memref<10000x32xf32, #tpu.memory_space<vmem_shared>> -> memref<10000x32xf32, #tpu.memory_space<vmem_shared>>
    %dma_wait3A_239 = tpu.memref_slice %arg11[%dma_wait3A_229] : memref<12x!tpu.dma_semaphore, #tpu.memory_space<semaphore_mem>> -> memref<1x!tpu.dma_semaphore, #tpu.memory_space<semaphore_mem>>
    %dma_wait3A_240 = tpu.memref_squeeze %dma_wait3A_239 : memref<1x!tpu.dma_semaphore, #tpu.memory_space<semaphore_mem>> -> memref<!tpu.dma_semaphore, #tpu.memory_space<semaphore_mem>>
    tpu.wait_indirect_dma semaphore(%dma_wait3A_240 : memref<!tpu.dma_semaphore, #tpu.memory_space<semaphore_mem>>) src(%dma_wait3A_233 : memref<80x32xf32, #tpu.memory_space<vmem>>) dst(%dma_wait3A_238 : memref<10000x32xf32, #tpu.memory_space<vmem_shared>>)
    %dma_wait3A_241 = arith.constant 0 : i32
    %dma_wait3A_242 = arith.constant 0 : i32
    %dma_wait3A_243 = arith.constant 0 : i32
    %dma_wait3A_244 = arith.constant 0 : i32
    %dma_wait3A_245 = tpu.memref_slice %arg8[%dma_wait3A_241, %dma_wait3A_243, %dma_wait3A_244] : memref<12x80x32xf32, #tpu.memory_space<vmem>> -> memref<1x80x32xf32, #tpu.memory_space<vmem>>
    %dma_wait3A_246 = tpu.memref_squeeze %dma_wait3A_245 : memref<1x80x32xf32, #tpu.memory_space<vmem>> -> memref<80x32xf32, #tpu.memory_space<vmem>>
    %dma_wait3A_247 = arith.constant 9600 : i32
    %dma_wait3A_248 = tpu.memref_slice %arg7[%dma_wait3A_247] : memref<10000xi32, #tpu.memory_space<vmem>> -> memref<80xi32, #tpu.memory_space<vmem>>
    %dma_wait3A_249 = arith.constant 0 : i32
    %dma_wait3A_250 = arith.constant 0 : i32
    %dma_wait3A_251 = tpu.memref_slice %arg9[%dma_wait3A_249, %dma_wait3A_250] : memref<10000x32xf32, #tpu.memory_space<vmem_shared>> -> memref<10000x32xf32, #tpu.memory_space<vmem_shared>>
    %dma_wait3A_252 = tpu.memref_slice %arg11[%dma_wait3A_242] : memref<12x!tpu.dma_semaphore, #tpu.memory_space<semaphore_mem>> -> memref<1x!tpu.dma_semaphore, #tpu.memory_space<semaphore_mem>>
    %dma_wait3A_253 = tpu.memref_squeeze %dma_wait3A_252 : memref<1x!tpu.dma_semaphore, #tpu.memory_space<semaphore_mem>> -> memref<!tpu.dma_semaphore, #tpu.memory_space<semaphore_mem>>
    tpu.wait_indirect_dma semaphore(%dma_wait3A_253 : memref<!tpu.dma_semaphore, #tpu.memory_space<semaphore_mem>>) src(%dma_wait3A_246 : memref<80x32xf32, #tpu.memory_space<vmem>>) dst(%dma_wait3A_251 : memref<10000x32xf32, #tpu.memory_space<vmem_shared>>)
    %dma_wait3A_254 = arith.constant 1 : i32
    %dma_wait3A_255 = arith.constant 1 : i32
    %dma_wait3A_256 = arith.constant 0 : i32
    %dma_wait3A_257 = arith.constant 0 : i32
    %dma_wait3A_258 = tpu.memref_slice %arg8[%dma_wait3A_254, %dma_wait3A_256, %dma_wait3A_257] : memref<12x80x32xf32, #tpu.memory_space<vmem>> -> memref<1x80x32xf32, #tpu.memory_space<vmem>>
    %dma_wait3A_259 = tpu.memref_squeeze %dma_wait3A_258 : memref<1x80x32xf32, #tpu.memory_space<vmem>> -> memref<80x32xf32, #tpu.memory_space<vmem>>
    %dma_wait3A_260 = arith.constant 9680 : i32
    %dma_wait3A_261 = tpu.memref_slice %arg7[%dma_wait3A_260] : memref<10000xi32, #tpu.memory_space<vmem>> -> memref<80xi32, #tpu.memory_space<vmem>>
    %dma_wait3A_262 = arith.constant 0 : i32
    %dma_wait3A_263 = arith.constant 0 : i32
    %dma_wait3A_264 = tpu.memref_slice %arg9[%dma_wait3A_262, %dma_wait3A_263] : memref<10000x32xf32, #tpu.memory_space<vmem_shared>> -> memref<10000x32xf32, #tpu.memory_space<vmem_shared>>
    %dma_wait3A_265 = tpu.memref_slice %arg11[%dma_wait3A_255] : memref<12x!tpu.dma_semaphore, #tpu.memory_space<semaphore_mem>> -> memref<1x!tpu.dma_semaphore, #tpu.memory_space<semaphore_mem>>
    %dma_wait3A_266 = tpu.memref_squeeze %dma_wait3A_265 : memref<1x!tpu.dma_semaphore, #tpu.memory_space<semaphore_mem>> -> memref<!tpu.dma_semaphore, #tpu.memory_space<semaphore_mem>>
    tpu.wait_indirect_dma semaphore(%dma_wait3A_266 : memref<!tpu.dma_semaphore, #tpu.memory_space<semaphore_mem>>) src(%dma_wait3A_259 : memref<80x32xf32, #tpu.memory_space<vmem>>) dst(%dma_wait3A_264 : memref<10000x32xf32, #tpu.memory_space<vmem_shared>>)
    %dma_wait3A_267 = arith.constant 2 : i32
    %dma_wait3A_268 = arith.constant 2 : i32
    %dma_wait3A_269 = arith.constant 0 : i32
    %dma_wait3A_270 = arith.constant 0 : i32
    %dma_wait3A_271 = tpu.memref_slice %arg8[%dma_wait3A_267, %dma_wait3A_269, %dma_wait3A_270] : memref<12x80x32xf32, #tpu.memory_space<vmem>> -> memref<1x80x32xf32, #tpu.memory_space<vmem>>
    %dma_wait3A_272 = tpu.memref_squeeze %dma_wait3A_271 : memref<1x80x32xf32, #tpu.memory_space<vmem>> -> memref<80x32xf32, #tpu.memory_space<vmem>>
    %dma_wait3A_273 = arith.constant 9760 : i32
    %dma_wait3A_274 = tpu.memref_slice %arg7[%dma_wait3A_273] : memref<10000xi32, #tpu.memory_space<vmem>> -> memref<80xi32, #tpu.memory_space<vmem>>
    %dma_wait3A_275 = arith.constant 0 : i32
    %dma_wait3A_276 = arith.constant 0 : i32
    %dma_wait3A_277 = tpu.memref_slice %arg9[%dma_wait3A_275, %dma_wait3A_276] : memref<10000x32xf32, #tpu.memory_space<vmem_shared>> -> memref<10000x32xf32, #tpu.memory_space<vmem_shared>>
    %dma_wait3A_278 = tpu.memref_slice %arg11[%dma_wait3A_268] : memref<12x!tpu.dma_semaphore, #tpu.memory_space<semaphore_mem>> -> memref<1x!tpu.dma_semaphore, #tpu.memory_space<semaphore_mem>>
    %dma_wait3A_279 = tpu.memref_squeeze %dma_wait3A_278 : memref<1x!tpu.dma_semaphore, #tpu.memory_space<semaphore_mem>> -> memref<!tpu.dma_semaphore, #tpu.memory_space<semaphore_mem>>
    tpu.wait_indirect_dma semaphore(%dma_wait3A_279 : memref<!tpu.dma_semaphore, #tpu.memory_space<semaphore_mem>>) src(%dma_wait3A_272 : memref<80x32xf32, #tpu.memory_space<vmem>>) dst(%dma_wait3A_277 : memref<10000x32xf32, #tpu.memory_space<vmem_shared>>)
    %dma_wait3A_280 = arith.constant 3 : i32
    %dma_wait3A_281 = arith.constant 3 : i32
    %dma_wait3A_282 = arith.constant 0 : i32
    %dma_wait3A_283 = arith.constant 0 : i32
    %dma_wait3A_284 = tpu.memref_slice %arg8[%dma_wait3A_280, %dma_wait3A_282, %dma_wait3A_283] : memref<12x80x32xf32, #tpu.memory_space<vmem>> -> memref<1x80x32xf32, #tpu.memory_space<vmem>>
    %dma_wait3A_285 = tpu.memref_squeeze %dma_wait3A_284 : memref<1x80x32xf32, #tpu.memory_space<vmem>> -> memref<80x32xf32, #tpu.memory_space<vmem>>
    %dma_wait3A_286 = arith.constant 9840 : i32
    %dma_wait3A_287 = tpu.memref_slice %arg7[%dma_wait3A_286] : memref<10000xi32, #tpu.memory_space<vmem>> -> memref<80xi32, #tpu.memory_space<vmem>>
    %dma_wait3A_288 = arith.constant 0 : i32
    %dma_wait3A_289 = arith.constant 0 : i32
    %dma_wait3A_290 = tpu.memref_slice %arg9[%dma_wait3A_288, %dma_wait3A_289] : memref<10000x32xf32, #tpu.memory_space<vmem_shared>> -> memref<10000x32xf32, #tpu.memory_space<vmem_shared>>
    %dma_wait3A_291 = tpu.memref_slice %arg11[%dma_wait3A_281] : memref<12x!tpu.dma_semaphore, #tpu.memory_space<semaphore_mem>> -> memref<1x!tpu.dma_semaphore, #tpu.memory_space<semaphore_mem>>
    %dma_wait3A_292 = tpu.memref_squeeze %dma_wait3A_291 : memref<1x!tpu.dma_semaphore, #tpu.memory_space<semaphore_mem>> -> memref<!tpu.dma_semaphore, #tpu.memory_space<semaphore_mem>>
    tpu.wait_indirect_dma semaphore(%dma_wait3A_292 : memref<!tpu.dma_semaphore, #tpu.memory_space<semaphore_mem>>) src(%dma_wait3A_285 : memref<80x32xf32, #tpu.memory_space<vmem>>) dst(%dma_wait3A_290 : memref<10000x32xf32, #tpu.memory_space<vmem_shared>>)
    %dma_wait3A_293 = arith.constant 4 : i32
    %dma_wait3A_294 = arith.constant 4 : i32
    %dma_wait3A_295 = arith.constant 0 : i32
    %dma_wait3A_296 = arith.constant 0 : i32
    %dma_wait3A_297 = tpu.memref_slice %arg8[%dma_wait3A_293, %dma_wait3A_295, %dma_wait3A_296] : memref<12x80x32xf32, #tpu.memory_space<vmem>> -> memref<1x80x32xf32, #tpu.memory_space<vmem>>
    %dma_wait3A_298 = tpu.memref_squeeze %dma_wait3A_297 : memref<1x80x32xf32, #tpu.memory_space<vmem>> -> memref<80x32xf32, #tpu.memory_space<vmem>>
    %dma_wait3A_299 = arith.constant 9920 : i32
    %dma_wait3A_300 = tpu.memref_slice %arg7[%dma_wait3A_299] : memref<10000xi32, #tpu.memory_space<vmem>> -> memref<80xi32, #tpu.memory_space<vmem>>
    %dma_wait3A_301 = arith.constant 0 : i32
    %dma_wait3A_302 = arith.constant 0 : i32
    %dma_wait3A_303 = tpu.memref_slice %arg9[%dma_wait3A_301, %dma_wait3A_302] : memref<10000x32xf32, #tpu.memory_space<vmem_shared>> -> memref<10000x32xf32, #tpu.memory_space<vmem_shared>>
    %dma_wait3A_304 = tpu.memref_slice %arg11[%dma_wait3A_294] : memref<12x!tpu.dma_semaphore, #tpu.memory_space<semaphore_mem>> -> memref<1x!tpu.dma_semaphore, #tpu.memory_space<semaphore_mem>>
    %dma_wait3A_305 = tpu.memref_squeeze %dma_wait3A_304 : memref<1x!tpu.dma_semaphore, #tpu.memory_space<semaphore_mem>> -> memref<!tpu.dma_semaphore, #tpu.memory_space<semaphore_mem>>
    tpu.wait_indirect_dma semaphore(%dma_wait3A_305 : memref<!tpu.dma_semaphore, #tpu.memory_space<semaphore_mem>>) src(%dma_wait3A_298 : memref<80x32xf32, #tpu.memory_space<vmem>>) dst(%dma_wait3A_303 : memref<10000x32xf32, #tpu.memory_space<vmem_shared>>)
    %barrier3A_306 = arith.constant 0 : index
    tpu.barrier barrier_id(%barrier3A_306)
    %lt3A_307 = arith.constant 15 : i32
    %lt3A_308 = arith.cmpi slt, %arg1, %lt3A_307 : i32
    %convert_element_type3A_309 = arith.extui %lt3A_308 : i1 to i32
    %cond3A_310 = arith.constant 0 : i32
    %cond3A_311 = arith.cmpi ne, %convert_element_type3A_309, %cond3A_310 : i32
    scf.if %cond3A_311 {
      "tpu.region"() ({
        %run_scoped3A = tpu.sem_alloc : memref<!tpu.dma_semaphore, #tpu.memory_space<semaphore_mem>>
        %dma_start3A_317 = arith.constant 0 : i32
        %dma_start3A_318 = tpu.memref_slice %arg5[%arg0, %multiple_of3A, %dma_start3A_317] : memref<2x10000x32xf32, #tpu.memory_space<hbm>> -> memref<1x624x32xf32, #tpu.memory_space<hbm>>
        %dma_start3A_319 = tpu.memref_squeeze %dma_start3A_318 : memref<1x624x32xf32, #tpu.memory_space<hbm>> -> memref<624x32xf32, #tpu.memory_space<hbm>>
        %dma_start3A_320 = arith.constant 0 : i32
        %dma_start3A_321 = tpu.memref_slice %arg9[%multiple_of3A, %dma_start3A_320] : memref<10000x32xf32, #tpu.memory_space<vmem_shared>> -> memref<624x32xf32, #tpu.memory_space<vmem_shared>>
        tpu.enqueue_dma source(%dma_start3A_321 : memref<624x32xf32, #tpu.memory_space<vmem_shared>>) target(%dma_start3A_319 : memref<624x32xf32, #tpu.memory_space<hbm>>) target_semaphore(%run_scoped3A : memref<!tpu.dma_semaphore, #tpu.memory_space<semaphore_mem>>)
        %dma_wait3A_322 = arith.constant 0 : i32
        %dma_wait3A_323 = tpu.memref_slice %arg5[%arg0, %multiple_of3A, %dma_wait3A_322] : memref<2x10000x32xf32, #tpu.memory_space<hbm>> -> memref<1x624x32xf32, #tpu.memory_space<hbm>>
        %dma_wait3A_324 = tpu.memref_squeeze %dma_wait3A_323 : memref<1x624x32xf32, #tpu.memory_space<hbm>> -> memref<624x32xf32, #tpu.memory_space<hbm>>
        %dma_wait3A_325 = arith.constant 0 : i32
        %dma_wait3A_326 = tpu.memref_slice %arg9[%multiple_of3A, %dma_wait3A_325] : memref<10000x32xf32, #tpu.memory_space<vmem_shared>> -> memref<624x32xf32, #tpu.memory_space<vmem_shared>>
        tpu.wait_dma2 semaphore(%run_scoped3A : memref<!tpu.dma_semaphore, #tpu.memory_space<semaphore_mem>>) src(%dma_wait3A_326 : memref<624x32xf32, #tpu.memory_space<vmem_shared>>) dst(%dma_wait3A_324 : memref<624x32xf32, #tpu.memory_space<hbm>>)
        tpu.yield
      }) : () -> ()
    } else {
    }
    %eq3A_312 = arith.constant 15 : i32
    %eq3A_313 = arith.cmpi eq, %arg1, %eq3A_312 : i32
    %convert_element_type3A_314 = arith.extui %eq3A_313 : i1 to i32
    %cond3A_315 = arith.constant 0 : i32
    %cond3A_316 = arith.cmpi ne, %convert_element_type3A_314, %cond3A_315 : i32
    scf.if %cond3A_316 {
      "tpu.region"() ({
        %run_scoped3A = tpu.sem_alloc : memref<!tpu.dma_semaphore, #tpu.memory_space<semaphore_mem>>
        %dma_start3A_317 = arith.constant 9360 : i32
        %dma_start3A_318 = arith.constant 0 : i32
        %dma_start3A_319 = tpu.memref_slice %arg5[%arg0, %dma_start3A_317, %dma_start3A_318] : memref<2x10000x32xf32, #tpu.memory_space<hbm>> -> memref<1x640x32xf32, #tpu.memory_space<hbm>>
        %dma_start3A_320 = tpu.memref_squeeze %dma_start3A_319 : memref<1x640x32xf32, #tpu.memory_space<hbm>> -> memref<640x32xf32, #tpu.memory_space<hbm>>
        %dma_start3A_321 = arith.constant 9360 : i32
        %dma_start3A_322 = arith.constant 0 : i32
        %dma_start3A_323 = tpu.memref_slice %arg9[%dma_start3A_321, %dma_start3A_322] : memref<10000x32xf32, #tpu.memory_space<vmem_shared>> -> memref<640x32xf32, #tpu.memory_space<vmem_shared>>
        tpu.enqueue_dma source(%dma_start3A_323 : memref<640x32xf32, #tpu.memory_space<vmem_shared>>) target(%dma_start3A_320 : memref<640x32xf32, #tpu.memory_space<hbm>>) target_semaphore(%run_scoped3A : memref<!tpu.dma_semaphore, #tpu.memory_space<semaphore_mem>>)
        %dma_wait3A_324 = arith.constant 9360 : i32
        %dma_wait3A_325 = arith.constant 0 : i32
        %dma_wait3A_326 = tpu.memref_slice %arg5[%arg0, %dma_wait3A_324, %dma_wait3A_325] : memref<2x10000x32xf32, #tpu.memory_space<hbm>> -> memref<1x640x32xf32, #tpu.memory_space<hbm>>
        %dma_wait3A_327 = tpu.memref_squeeze %dma_wait3A_326 : memref<1x640x32xf32, #tpu.memory_space<hbm>> -> memref<640x32xf32, #tpu.memory_space<hbm>>
        %dma_wait3A_328 = arith.constant 9360 : i32
        %dma_wait3A_329 = arith.constant 0 : i32
        %dma_wait3A_330 = tpu.memref_slice %arg9[%dma_wait3A_328, %dma_wait3A_329] : memref<10000x32xf32, #tpu.memory_space<vmem_shared>> -> memref<640x32xf32, #tpu.memory_space<vmem_shared>>
        tpu.wait_dma2 semaphore(%run_scoped3A : memref<!tpu.dma_semaphore, #tpu.memory_space<semaphore_mem>>) src(%dma_wait3A_330 : memref<640x32xf32, #tpu.memory_space<vmem_shared>>) dst(%dma_wait3A_327 : memref<640x32xf32, #tpu.memory_space<hbm>>)
        tpu.yield
      }) : () -> ()
    } else {
    }
    return
  }
}

module attributes {stable_mosaic.version = 14 : i64} {
  func.func @_proj_body(%arg0: i32, %arg1: memref<1000x128xf32, #tpu.memory_space<vmem>>, %arg2: memref<20x128xf32, #tpu.memory_space<vmem>>, %arg3: memref<20x128xf32, #tpu.memory_space<vmem>>, %arg4: memref<1000x32xf32, #tpu.memory_space<vmem>>, %arg5: memref<1000x20xf32, #tpu.memory_space<vmem>>) attributes {dimension_semantics = [#tpu.dimension_semantics<arbitrary>], iteration_bounds = array<i64: 10>, scalar_prefetch = 0 : i64, scratch_operands = 0 : i64, tpu.core_type = #tpu.core_type<tc>, window_params = [{transform_indices = @transform_0, window_bounds = array<i64: 1000, 128>}, {pipeline_mode = #tpu.pipeline_mode<synchronous>, transform_indices = @transform_1, window_bounds = array<i64: 20, 128>}, {pipeline_mode = #tpu.pipeline_mode<synchronous>, transform_indices = @transform_2, window_bounds = array<i64: 20, 128>}, {transform_indices = @transform_3, window_bounds = array<i64: 1000, 32>}, {transform_indices = @transform_4, window_bounds = array<i64: 1000, 20>}]} {
    %get3A = arith.constant 0 : index
    %get3A_0 = arith.constant 0 : index
    %get3A_1 = vector.load %arg1[%get3A, %get3A_0] : memref<1000x128xf32, #tpu.memory_space<vmem>>, vector<1000x128xf32>
    %get3A_2 = arith.constant 0 : index
    %get3A_3 = arith.constant 0 : index
    %get3A_4 = vector.load %arg2[%get3A_2, %get3A_3] : memref<20x128xf32, #tpu.memory_space<vmem>>, vector<20x128xf32>
    %dot_general3A = arith.constant dense<0.000000e+00> : vector<1000x20xf32>
    %dot_general3A_5 = tpu.matmul %get3A_1, %get3A_4, %dot_general3A {dimension_numbers = #tpu.dot_dimension_numbers<[1], [1], [0], [0], [0, 0, 1, 0], [], []>, transpose_lhs_hint = false} : vector<1000x128xf32>, vector<20x128xf32>, vector<1000x20xf32> -> vector<1000x20xf32>
    %broadcast_in_dim3A = arith.constant 1.000000e+00 : f32
    %broadcast_in_dim3A_6 = vector.broadcast %broadcast_in_dim3A : f32 to vector<1000x1xf32>
    %broadcast_in_dim3A_7 = arith.constant 0.000000e+00 : f32
    %broadcast_in_dim3A_8 = vector.broadcast %broadcast_in_dim3A_7 : f32 to vector<1000x11xf32>
    %concatenate3A = tpu.concatenate %dot_general3A_5, %broadcast_in_dim3A_6, %broadcast_in_dim3A_8 in 1 : vector<1000x20xf32>, vector<1000x1xf32>, vector<1000x11xf32> -> vector<1000x32xf32>
    %swap3A = arith.constant 0 : index
    %swap3A_9 = arith.constant 0 : index
    %swap3A_10 = vector.load %arg4[%swap3A, %swap3A_9] : memref<1000x32xf32, #tpu.memory_space<vmem>>, vector<1000x32xf32>
    tpu.vector_store %arg4[%swap3A, %swap3A_9], %concatenate3A {strides = array<i32>} : memref<1000x32xf32, #tpu.memory_space<vmem>>, vector<1000x32xf32>,
    %get3A_11 = arith.constant 0 : index
    %get3A_12 = arith.constant 0 : index
    %get3A_13 = vector.load %arg3[%get3A_11, %get3A_12] : memref<20x128xf32, #tpu.memory_space<vmem>>, vector<20x128xf32>
    %dot_general3A_14 = arith.constant dense<0.000000e+00> : vector<1000x20xf32>
    %dot_general3A_15 = tpu.matmul %get3A_1, %get3A_13, %dot_general3A_14 {dimension_numbers = #tpu.dot_dimension_numbers<[1], [1], [0], [0], [0, 0, 1, 0], [], []>, transpose_lhs_hint = false} : vector<1000x128xf32>, vector<20x128xf32>, vector<1000x20xf32> -> vector<1000x20xf32>
    %swap3A_16 = arith.constant 0 : index
    %swap3A_17 = arith.constant 0 : index
    %swap3A_18 = vector.load %arg5[%swap3A_16, %swap3A_17] : memref<1000x20xf32, #tpu.memory_space<vmem>>, vector<1000x20xf32>
    tpu.vector_store %arg5[%swap3A_16, %swap3A_17], %dot_general3A_15 {strides = array<i32>} : memref<1000x20xf32, #tpu.memory_space<vmem>>, vector<1000x20xf32>,
    return
  }
  func.func @transform_0(%arg0: i32) -> (i32, i32) {
    %c0_i32 = arith.constant 0 : i32
    %c0_i32_0 = arith.constant 0 : i32
    return %arg0, %c0_i32 : i32, i32
  }
  func.func @transform_1(%arg0: i32) -> (i32, i32) {
    %c0_i32 = arith.constant 0 : i32
    %c0_i32_0 = arith.constant 0 : i32
    %c0_i32_1 = arith.constant 0 : i32
    return %c0_i32, %c0_i32_0 : i32, i32
  }
  func.func @transform_2(%arg0: i32) -> (i32, i32) {
    %c0_i32 = arith.constant 0 : i32
    %c0_i32_0 = arith.constant 0 : i32
    %c0_i32_1 = arith.constant 0 : i32
    return %c0_i32, %c0_i32_0 : i32, i32
  }
  func.func @transform_3(%arg0: i32) -> (i32, i32) {
    %c0_i32 = arith.constant 0 : i32
    %c0_i32_0 = arith.constant 0 : i32
    return %arg0, %c0_i32 : i32, i32
  }
  func.func @transform_4(%arg0: i32) -> (i32, i32) {
    %c0_i32 = arith.constant 0 : i32
    %c0_i32_0 = arith.constant 0 : i32
    return %arg0, %c0_i32 : i32, i32
  }
}

module attributes {stable_mosaic.version = 14 : i64} {
  func.func @_gum_body(%arg0: i32, %arg1: memref<2000x20xf32, #tpu.memory_space<vmem>>, %arg2: memref<2000x20xf32, #tpu.memory_space<vmem>>) attributes {dimension_semantics = [#tpu.dimension_semantics<arbitrary>], iteration_bounds = array<i64: 5>, scalar_prefetch = 0 : i64, scratch_operands = 0 : i64, tpu.core_type = #tpu.core_type<tc>, window_params = [{transform_indices = @transform_0, window_bounds = array<i64: 2000, 20>}, {transform_indices = @transform_1, window_bounds = array<i64: 2000, 20>}]} {
    %get3A = arith.constant 0 : index
    %get3A_0 = arith.constant 0 : index
    %get3A_1 = vector.load %arg1[%get3A, %get3A_0] : memref<2000x20xf32, #tpu.memory_space<vmem>>, vector<2000x20xf32>
    %add3A = arith.constant 9.99999968E-21 : f32
    %add3A_2 = vector.broadcast %add3A : f32 to vector<2000x20xf32>
    %add3A_3 = arith.addf %get3A_1, %add3A_2 : vector<2000x20xf32>
    %log3A = math.log %add3A_3 : vector<2000x20xf32>
    %neg3A = arith.constant 0.000000e+00 : f32
    %neg3A_4 = vector.broadcast %neg3A : f32 to vector<2000x20xf32>
    %neg3A_5 = arith.subf %neg3A_4, %log3A : vector<2000x20xf32>
    %log3A_6 = math.log %neg3A_5 : vector<2000x20xf32>
    %neg3A_7 = arith.constant 0.000000e+00 : f32
    %neg3A_8 = vector.broadcast %neg3A_7 : f32 to vector<2000x20xf32>
    %neg3A_9 = arith.subf %neg3A_8, %log3A_6 : vector<2000x20xf32>
    %swap3A = arith.constant 0 : index
    %swap3A_10 = arith.constant 0 : index
    %swap3A_11 = vector.load %arg2[%swap3A, %swap3A_10] : memref<2000x20xf32, #tpu.memory_space<vmem>>, vector<2000x20xf32>
    tpu.vector_store %arg2[%swap3A, %swap3A_10], %neg3A_9 {strides = array<i32>} : memref<2000x20xf32, #tpu.memory_space<vmem>>, vector<2000x20xf32>,
    return
  }
  func.func @transform_0(%arg0: i32) -> (i32, i32) {
    %c0_i32 = arith.constant 0 : i32
    %c0_i32_0 = arith.constant 0 : i32
    return %arg0, %c0_i32 : i32, i32
  }
  func.func @transform_1(%arg0: i32) -> (i32, i32) {
    %c0_i32 = arith.constant 0 : i32
    %c0_i32_0 = arith.constant 0 : i32
    return %arg0, %c0_i32 : i32, i32
  }
}

module attributes {stable_mosaic.version = 14 : i64} {
  func.func @_code_body(%arg0: i32, %arg1: memref<2x2000x32xf32, #tpu.memory_space<vmem>>, %arg2: memref<2000x20xf32, #tpu.memory_space<vmem>>, %arg3: memref<1x20xf32, #tpu.memory_space<vmem>>, %arg4: memref<2000x20xf32, #tpu.memory_space<vmem>>, %arg5: memref<2000x32xf32, #tpu.memory_space<vmem>>) attributes {dimension_semantics = [#tpu.dimension_semantics<arbitrary>], iteration_bounds = array<i64: 5>, scalar_prefetch = 0 : i64, scratch_operands = 0 : i64, tpu.core_type = #tpu.core_type<tc>, window_params = [{transform_indices = @transform_0, window_bounds = array<i64: 2, 2000, 32>}, {transform_indices = @transform_1, window_bounds = array<i64: 2000, 20>}, {pipeline_mode = #tpu.pipeline_mode<synchronous>, transform_indices = @transform_2, window_bounds = array<i64: 1, 20>}, {transform_indices = @transform_3, window_bounds = array<i64: 2000, 20>}, {transform_indices = @transform_4, window_bounds = array<i64: 2000, 32>}]} {
    %get3A = arith.constant 0 : index
    %get3A_0 = arith.constant 0 : index
    %get3A_1 = arith.constant 0 : index
    %get3A_2 = vector.load %arg1[%get3A, %get3A_0, %get3A_1] : memref<2x2000x32xf32, #tpu.memory_space<vmem>>, vector<1x2000x32xf32>
    %get3A_3 = vector.shape_cast %get3A_2 : vector<1x2000x32xf32> to vector<2000x32xf32>
    %get3A_4 = arith.constant 1 : index
    %get3A_5 = arith.constant 0 : index
    %get3A_6 = arith.constant 0 : index
    %get3A_7 = vector.load %arg1[%get3A_4, %get3A_5, %get3A_6] : memref<2x2000x32xf32, #tpu.memory_space<vmem>>, vector<1x2000x32xf32>
    %get3A_8 = vector.shape_cast %get3A_7 : vector<1x2000x32xf32> to vector<2000x32xf32>
    %add3A = arith.addf %get3A_3, %get3A_8 : vector<2000x32xf32>
    %slice3A = vector.extract_strided_slice %add3A {offsets = [0, 20], sizes = [2000, 1], strides = [1, 1]} : vector<2000x32xf32> to vector<2000x1xf32>
    %max3A = arith.constant 1.000000e+00 : f32
    %max3A_9 = vector.broadcast %max3A : f32 to vector<2000x1xf32>
    %max3A_10 = arith.maximumf %slice3A, %max3A_9 : vector<2000x1xf32>
    %div3A = arith.constant 1.000000e+00 : f32
    %div3A_11 = vector.broadcast %div3A : f32 to vector<2000x1xf32>
    %div3A_12 = arith.divf %div3A_11, %max3A_10 : vector<2000x1xf32>
    %slice3A_13 = vector.extract_strided_slice %add3A {offsets = [0, 0], sizes = [2000, 20], strides = [1, 1]} : vector<2000x32xf32> to vector<2000x20xf32>
    %mul3A = vector.broadcast %div3A_12 : vector<2000x1xf32> to vector<2000x20xf32>
    %mul3A_14 = arith.mulf %slice3A_13, %mul3A : vector<2000x20xf32>
    %get3A_15 = arith.constant 0 : index
    %get3A_16 = arith.constant 0 : index
    %get3A_17 = vector.load %arg3[%get3A_15, %get3A_16] : memref<1x20xf32, #tpu.memory_space<vmem>>, vector<1x20xf32>
    %add3A_18 = vector.broadcast %get3A_17 : vector<1x20xf32> to vector<2000x20xf32>
    %add3A_19 = arith.addf %mul3A_14, %add3A_18 : vector<2000x20xf32>
    %get3A_20 = arith.constant 0 : index
    %get3A_21 = arith.constant 0 : index
    %get3A_22 = vector.load %arg2[%get3A_20, %get3A_21] : memref<2000x20xf32, #tpu.memory_space<vmem>>, vector<2000x20xf32>
    %add3A_23 = arith.addf %add3A_19, %get3A_22 : vector<2000x20xf32>
    %get3A_24 = arith.constant 0 : index
    %get3A_25 = arith.constant 0 : index
    %get3A_26 = vector.load %arg4[%get3A_24, %get3A_25] : memref<2000x20xf32, #tpu.memory_space<vmem>>, vector<2000x20xf32>
    %add3A_27 = arith.addf %add3A_23, %get3A_26 : vector<2000x20xf32>
    %slice3A_28 = vector.extract_strided_slice %add3A_27 {offsets = [0, 0], sizes = [2000, 10], strides = [1, 1]} : vector<2000x20xf32> to vector<2000x10xf32>
    %slice3A_29 = vector.extract_strided_slice %add3A_27 {offsets = [0, 10], sizes = [2000, 10], strides = [1, 1]} : vector<2000x20xf32> to vector<2000x10xf32>
    %reduce_max3A = arith.constant dense<0xFF800000> : vector<2000xf32>
    %reduce_max3A_30 = vector.multi_reduction <maximumf>, %slice3A_28, %reduce_max3A [1] : vector<2000x10xf32> to vector<2000xf32>
    %broadcast_in_dim3A = vector.shape_cast %reduce_max3A_30 : vector<2000xf32> to vector<2000x1xf32>
    %sub3A = vector.broadcast %broadcast_in_dim3A : vector<2000x1xf32> to vector<2000x10xf32>
    %sub3A_31 = arith.subf %slice3A_28, %sub3A : vector<2000x10xf32>
    %exp3A = math.exp %sub3A_31 : vector<2000x10xf32>
    %reduce_max3A_32 = arith.constant dense<0xFF800000> : vector<2000xf32>
    %reduce_max3A_33 = vector.multi_reduction <maximumf>, %slice3A_29, %reduce_max3A_32 [1] : vector<2000x10xf32> to vector<2000xf32>
    %broadcast_in_dim3A_34 = vector.shape_cast %reduce_max3A_33 : vector<2000xf32> to vector<2000x1xf32>
    %sub3A_35 = vector.broadcast %broadcast_in_dim3A_34 : vector<2000x1xf32> to vector<2000x10xf32>
    %sub3A_36 = arith.subf %slice3A_29, %sub3A_35 : vector<2000x10xf32>
    %exp3A_37 = math.exp %sub3A_36 : vector<2000x10xf32>
    %reduce_sum3A = arith.constant dense<0.000000e+00> : vector<2000xf32>
    %reduce_sum3A_38 = vector.multi_reduction <add>, %exp3A, %reduce_sum3A [1] : vector<2000x10xf32> to vector<2000xf32>
    %broadcast_in_dim3A_39 = vector.shape_cast %reduce_sum3A_38 : vector<2000xf32> to vector<2000x1xf32>
    %div3A_40 = vector.broadcast %broadcast_in_dim3A_39 : vector<2000x1xf32> to vector<2000x10xf32>
    %div3A_41 = arith.divf %exp3A, %div3A_40 : vector<2000x10xf32>
    %reduce_sum3A_42 = arith.constant dense<0.000000e+00> : vector<2000xf32>
    %reduce_sum3A_43 = vector.multi_reduction <add>, %exp3A_37, %reduce_sum3A_42 [1] : vector<2000x10xf32> to vector<2000xf32>
    %broadcast_in_dim3A_44 = vector.shape_cast %reduce_sum3A_43 : vector<2000xf32> to vector<2000x1xf32>
    %div3A_45 = vector.broadcast %broadcast_in_dim3A_44 : vector<2000x1xf32> to vector<2000x10xf32>
    %div3A_46 = arith.divf %exp3A_37, %div3A_45 : vector<2000x10xf32>
    %broadcast_in_dim3A_47 = arith.constant 0.000000e+00 : f32
    %broadcast_in_dim3A_48 = vector.broadcast %broadcast_in_dim3A_47 : f32 to vector<2000x11xf32>
    %concatenate3A = tpu.concatenate %div3A_41, %div3A_46, %div3A_12, %broadcast_in_dim3A_48 in 1 : vector<2000x10xf32>, vector<2000x10xf32>, vector<2000x1xf32>, vector<2000x11xf32> -> vector<2000x32xf32>
    %swap3A = arith.constant 0 : index
    %swap3A_49 = arith.constant 0 : index
    %swap3A_50 = vector.load %arg5[%swap3A, %swap3A_49] : memref<2000x32xf32, #tpu.memory_space<vmem>>, vector<2000x32xf32>
    tpu.vector_store %arg5[%swap3A, %swap3A_49], %concatenate3A {strides = array<i32>} : memref<2000x32xf32, #tpu.memory_space<vmem>>, vector<2000x32xf32>,
    return
  }
  func.func @transform_0(%arg0: i32) -> (i32, i32, i32) {
    %c0_i32 = arith.constant 0 : i32
    %c0_i32_0 = arith.constant 0 : i32
    %c0_i32_1 = arith.constant 0 : i32
    return %c0_i32, %arg0, %c0_i32_0 : i32, i32, i32
  }
  func.func @transform_1(%arg0: i32) -> (i32, i32) {
    %c0_i32 = arith.constant 0 : i32
    %c0_i32_0 = arith.constant 0 : i32
    return %arg0, %c0_i32 : i32, i32
  }
  func.func @transform_2(%arg0: i32) -> (i32, i32) {
    %c0_i32 = arith.constant 0 : i32
    %c0_i32_0 = arith.constant 0 : i32
    %c0_i32_1 = arith.constant 0 : i32
    return %c0_i32, %c0_i32_0 : i32, i32
  }
  func.func @transform_3(%arg0: i32) -> (i32, i32) {
    %c0_i32 = arith.constant 0 : i32
    %c0_i32_0 = arith.constant 0 : i32
    return %arg0, %c0_i32 : i32, i32
  }
  func.func @transform_4(%arg0: i32) -> (i32, i32) {
    %c0_i32 = arith.constant 0 : i32
    %c0_i32_0 = arith.constant 0 : i32
    return %arg0, %c0_i32 : i32, i32
  }
}

module attributes {stable_mosaic.version = 14 : i64} {
  func.func @_dec_body(%arg0: i32, %arg1: memref<2x2000x32xf32, #tpu.memory_space<vmem>>, %arg2: memref<2000x32xf32, #tpu.memory_space<vmem>>, %arg3: memref<128x20xf32, #tpu.memory_space<vmem>>, %arg4: memref<128x20xf32, #tpu.memory_space<vmem>>, %arg5: memref<1x128xf32, #tpu.memory_space<vmem>>, %arg6: memref<2000x128xf32, #tpu.memory_space<vmem>>) attributes {dimension_semantics = [#tpu.dimension_semantics<arbitrary>], iteration_bounds = array<i64: 5>, scalar_prefetch = 0 : i64, scratch_operands = 0 : i64, tpu.core_type = #tpu.core_type<tc>, window_params = [{transform_indices = @transform_0, window_bounds = array<i64: 2, 2000, 32>}, {transform_indices = @transform_1, window_bounds = array<i64: 2000, 32>}, {pipeline_mode = #tpu.pipeline_mode<synchronous>, transform_indices = @transform_2, window_bounds = array<i64: 128, 20>}, {pipeline_mode = #tpu.pipeline_mode<synchronous>, transform_indices = @transform_3, window_bounds = array<i64: 128, 20>}, {pipeline_mode = #tpu.pipeline_mode<synchronous>, transform_indices = @transform_4, window_bounds = array<i64: 1, 128>}, {transform_indices = @transform_5, window_bounds = array<i64: 2000, 128>}]} {
    %get3A = arith.constant 0 : index
    %get3A_0 = arith.constant 0 : index
    %get3A_1 = arith.constant 0 : index
    %get3A_2 = vector.load %arg1[%get3A, %get3A_0, %get3A_1] : memref<2x2000x32xf32, #tpu.memory_space<vmem>>, vector<1x2000x32xf32>
    %get3A_3 = vector.shape_cast %get3A_2 : vector<1x2000x32xf32> to vector<2000x32xf32>
    %get3A_4 = arith.constant 1 : index
    %get3A_5 = arith.constant 0 : index
    %get3A_6 = arith.constant 0 : index
    %get3A_7 = vector.load %arg1[%get3A_4, %get3A_5, %get3A_6] : memref<2x2000x32xf32, #tpu.memory_space<vmem>>, vector<1x2000x32xf32>
    %get3A_8 = vector.shape_cast %get3A_7 : vector<1x2000x32xf32> to vector<2000x32xf32>
    %add3A = arith.addf %get3A_3, %get3A_8 : vector<2000x32xf32>
    %get3A_9 = arith.constant 0 : index
    %get3A_10 = arith.constant 0 : index
    %get3A_11 = vector.load %arg2[%get3A_9, %get3A_10] : memref<2000x32xf32, #tpu.memory_space<vmem>>, vector<2000x32xf32>
    %slice3A = vector.extract_strided_slice %get3A_11 {offsets = [0, 20], sizes = [2000, 1], strides = [1, 1]} : vector<2000x32xf32> to vector<2000x1xf32>
    %slice3A_12 = vector.extract_strided_slice %add3A {offsets = [0, 0], sizes = [2000, 20], strides = [1, 1]} : vector<2000x32xf32> to vector<2000x20xf32>
    %mul3A = vector.broadcast %slice3A : vector<2000x1xf32> to vector<2000x20xf32>
    %mul3A_13 = arith.mulf %slice3A_12, %mul3A : vector<2000x20xf32>
    %get3A_14 = arith.constant 0 : index
    %get3A_15 = arith.constant 0 : index
    %get3A_16 = vector.load %arg3[%get3A_14, %get3A_15] : memref<128x20xf32, #tpu.memory_space<vmem>>, vector<128x20xf32>
    %dot_general3A = arith.constant dense<0.000000e+00> : vector<2000x128xf32>
    %dot_general3A_17 = tpu.matmul %mul3A_13, %get3A_16, %dot_general3A {dimension_numbers = #tpu.dot_dimension_numbers<[1], [1], [0], [0], [0, 0, 1, 0], [], []>, transpose_lhs_hint = false} : vector<2000x20xf32>, vector<128x20xf32>, vector<2000x128xf32> -> vector<2000x128xf32>
    %slice3A_18 = vector.extract_strided_slice %get3A_11 {offsets = [0, 0], sizes = [2000, 20], strides = [1, 1]} : vector<2000x32xf32> to vector<2000x20xf32>
    %get3A_19 = arith.constant 0 : index
    %get3A_20 = arith.constant 0 : index
    %get3A_21 = vector.load %arg4[%get3A_19, %get3A_20] : memref<128x20xf32, #tpu.memory_space<vmem>>, vector<128x20xf32>
    %dot_general3A_22 = arith.constant dense<0.000000e+00> : vector<2000x128xf32>
    %dot_general3A_23 = tpu.matmul %slice3A_18, %get3A_21, %dot_general3A_22 {dimension_numbers = #tpu.dot_dimension_numbers<[1], [1], [0], [0], [0, 0, 1, 0], [], []>, transpose_lhs_hint = false} : vector<2000x20xf32>, vector<128x20xf32>, vector<2000x128xf32> -> vector<2000x128xf32>
    %add3A_24 = arith.addf %dot_general3A_17, %dot_general3A_23 : vector<2000x128xf32>
    %get3A_25 = arith.constant 0 : index
    %get3A_26 = arith.constant 0 : index
    %get3A_27 = vector.load %arg5[%get3A_25, %get3A_26] : memref<1x128xf32, #tpu.memory_space<vmem>>, vector<1x128xf32>
    %add3A_28 = vector.broadcast %get3A_27 : vector<1x128xf32> to vector<2000x128xf32>
    %add3A_29 = arith.addf %add3A_24, %add3A_28 : vector<2000x128xf32>
    %swap3A = arith.constant 0 : index
    %swap3A_30 = arith.constant 0 : index
    %swap3A_31 = vector.load %arg6[%swap3A, %swap3A_30] : memref<2000x128xf32, #tpu.memory_space<vmem>>, vector<2000x128xf32>
    tpu.vector_store %arg6[%swap3A, %swap3A_30], %add3A_29 {strides = array<i32>} : memref<2000x128xf32, #tpu.memory_space<vmem>>, vector<2000x128xf32>,
    return
  }
  func.func @transform_0(%arg0: i32) -> (i32, i32, i32) {
    %c0_i32 = arith.constant 0 : i32
    %c0_i32_0 = arith.constant 0 : i32
    %c0_i32_1 = arith.constant 0 : i32
    return %c0_i32, %arg0, %c0_i32_0 : i32, i32, i32
  }
  func.func @transform_1(%arg0: i32) -> (i32, i32) {
    %c0_i32 = arith.constant 0 : i32
    %c0_i32_0 = arith.constant 0 : i32
    return %arg0, %c0_i32 : i32, i32
  }
  func.func @transform_2(%arg0: i32) -> (i32, i32) {
    %c0_i32 = arith.constant 0 : i32
    %c0_i32_0 = arith.constant 0 : i32
    %c0_i32_1 = arith.constant 0 : i32
    return %c0_i32, %c0_i32_0 : i32, i32
  }
  func.func @transform_3(%arg0: i32) -> (i32, i32) {
    %c0_i32 = arith.constant 0 : i32
    %c0_i32_0 = arith.constant 0 : i32
    %c0_i32_1 = arith.constant 0 : i32
    return %c0_i32, %c0_i32_0 : i32, i32
  }
  func.func @transform_4(%arg0: i32) -> (i32, i32) {
    %c0_i32 = arith.constant 0 : i32
    %c0_i32_0 = arith.constant 0 : i32
    %c0_i32_1 = arith.constant 0 : i32
    return %c0_i32, %c0_i32_0 : i32, i32
  }
  func.func @transform_5(%arg0: i32) -> (i32, i32) {
    %c0_i32 = arith.constant 0 : i32
    %c0_i32_0 = arith.constant 0 : i32
    return %arg0, %c0_i32 : i32, i32
  }
}

</mosaic_0001>

<sc_bundles>
// kernel: kernel.11.cloned.1.call-start
scs
__scs_entry_jumppad:
0x0: {  	(pc) =	sbr.rel $0x88, $3  }
0x1: {  	(tag) =	ssettag $0x0;
	lr =	simm.s32 $0x1  }
0x2: {  	[smem:$0x3F99] =	sst lr;
	_ =	strace $0xD0000000  }
0x3: {  	_ = 	snop  }
0x4: {  	_ = 	snop  }
0x5: {  	_ = 	snop  }
0x6: {  	_ = 	snop  }
0x7: {  	_ = 	snop  }
__scs_overlays_trampoline_lowered:
0x8: {  	[smem:$0x3FA8] =	sst s0  }
0x9: {  	[smem:$0x3FA9] =	sst s1  }
0xa: {  	[smem:$0x3FAA] =	sst s2  }
0xb: {  	[smem:$0x3FAB] =	sst s3  }
0xc: {  	[smem:$0x3FAC] =	sst s4  }
0xd: {  	[smem:$0x3FAD] =	sst s5  }
0xe: {  	[smem:$0x3FAE] =	sst s6  }
0xf: {  	[smem:$0x3FAF] =	sst s7  }
0x10: {  	[smem:$0x3FB0] =	sst s8  }
0x11: {  	[smem:$0x3FB1] =	sst s9;
	s0 =	simm.s32 @!p0 $0x0  }
0x12: {  	s1 =	sld [smem:$0x3F97];
	s0 =	simm.s32 @p0 $0x1  }
0x13: {  	[smem:$0x3FB2] =	sst s0;
	s0 =	simm.s32 @!p1 $0x0  }
0x14: {  	s2 =	sld [smem:$0x3F96];
	s0 =	simm.s32 @p1 $0x1  }
0x15: {  	[smem:$0x3FB3] =	sst s0;
	s0 =	simm.s32 @!p2 $0x0  }
0x16: {  	s3 =	sld [smem:$0x3FDB];
	s0 =	simm.s32 @p2 $0x1  }
0x17: {  	s4 =	simm.s32 $0x1BF5;
	[smem:$0x3FB5] =	sst s0  }
0x18: {  	s0 =	sld [smem:$0x3F98];
	_ =	swait.ge [sflag:s4], $0x0  }
0x19: {  	s7 =	sld [smem:$0x3F99]  }
0x1a: {  	s8 =	sadd.s32 $0xFFFFE003, lr  }
0x1b: {  	s9 =	sadd.s32 $0xFFFFFEF7, lr;
	s5 =	simm.s32 $0xFFFFFFFF;
	p2 =	slt.u32 s8, $0xFFFFF086  }
0x1c: {  	p1 =	slt.u32 s9, $0xF7A;
	s5 =	simm.s32 @!p2 $0x0  }
0x1d: {  	s5 =	simm.s32 @p1 $0x1;
	p0 =	seq.s32 s7, s2  }
0x1e: {  	s7 =	smul.u32 @!p0 $0xF7A, s2;
	p2 =	seq.s32 @!p0 s5, $0x0  }
0x1f: {  	s9 =	smul.u32 $0xF7A, s1;
	s8 =	simm.s32 @!p0 $0x1BF5;
	p2 =	por !p2, p0  }
0x20: {  	[sflag:s8] =	ssyncset.s32 @!p0 $0xFFFFF086;
	s6 =	sadd.s32 @!p0 s3, s7;
	s7 =	simm.s32 @!p0 $0x108  }
0x21: {  	s3 =	sadd.s32 s3, s9;
	s6 =	sadd.s32 @!p0 $0x88, s6;
	s7 =	simm.s32 @p2 $0x1082  }
0x22: {  	[simem:s7], [sflag:s8] =	dma.local @!p0 [hbm:s6], $0xF7A  }
0x23: {  	s9 =	sor.u32 $0xD0000000, s2;
	s6 =	simm.s32 $0x108;
	_ =	swait.ge @!p0 [sflag:s8], $0x0  }
0x24: {  	s3 =	sadd.s32 $0x88, s3;
	s6 =	simm.s32 @!p1 $0x1082;
	[sflag:s4] =	ssyncset.s32 $0xFFFFF086  }
0x25: {  	[simem:s6], [sflag:s4] =	dma.local [hbm:s3], $0xF7A  }
0x26: {  	[smem:$0x3F99] =	sst s1;
	(tag) =	ssettag s2;
	_ =	strace s9  }
0x27: {  	s1 =	sld [smem:$0x3FA9]  }
0x28: {  	s2 =	sld [smem:$0x3FAA]  }
0x29: {  	s4 =	sld [smem:$0x3FAC]  }
0x2a: {  	p0 =	seq.s32 s5, $0x0;
	s5 =	sld [smem:$0x3FAD]  }
0x2b: {  	s6 =	sld [smem:$0x3FAE]  }
0x2c: {  	s7 =	sld [smem:$0x3FAF]  }
0x2d: {  	s3 =	simm.s32 $0x108;
	s8 =	sld [smem:$0x3FB0]  }
0x2e: {  	s3 =	simm.s32 @!p0 $0x1082;
	s9 =	sld [smem:$0x3FB1]  }
0x2f: {  	lr =	sadd.s32 s0, s3;
	s0 =	sld [smem:$0x3FA8]  }
0x30: {  	s3 =	sld [smem:$0x3FAB]  }
0x31: {  	[smem:$0x3FB4] =	sst s10  }
0x32: {  	s10 =	sld [smem:$0x3FB2];
	_ =	sdelay $0x3  }
0x33: {  	p0 =	seq.s32 s10, $0x1;
	s10 =	sld [smem:$0x3FB4];
	_ =	sdelay $0x3  }
0x34: {  	[smem:$0x3FB4] =	sst s10  }
0x35: {  	s10 =	sld [smem:$0x3FB3];
	_ =	sdelay $0x3  }
0x36: {  	p1 =	seq.s32 s10, $0x1;
	s10 =	sld [smem:$0x3FB4];
	_ =	sdelay $0x3  }
0x37: {  	[smem:$0x3FB4] =	sst s10  }
0x38: {  	s10 =	sld [smem:$0x3FB5]  }
0x39: {  	_ = 	snop;
	(pc) =	sbr.ind lr, $3  }
0x3a: {  	_ = 	snop  }
0x3b: {  	_ = 	snop  }
0x3c: {  	p2 =	seq.s32 s10, $0x1;
	s10 =	sld [smem:$0x3FB4]  }
0x3d: {  	_ =	shalt  }
0x3e: {  	_ =	shalt  }
0x3f: {  	_ =	shalt  }
0x40: {  	_ =	shalt  }
0x41: {  	_ =	shalt  }
0x42: {  	_ =	shalt  }
0x43: {  	_ =	shalt  }
0x44: {  	_ =	shalt  }
0x45: {  	_ =	shalt  }
0x46: {  	_ =	shalt  }
0x47: {  	_ =	shalt  }
0x48: {  	_ =	shalt  }
0x49: {  	_ =	shalt  }
0x4a: {  	_ =	shalt  }
0x4b: {  	_ =	shalt  }
0x4c: {  	_ =	shalt  }
0x4d: {  	_ =	shalt  }
0x4e: {  	_ =	shalt  }
0x4f: {  	_ =	shalt  }
0x50: {  	_ =	shalt  }
0x51: {  	_ =	shalt  }
0x52: {  	_ =	shalt  }
0x53: {  	_ =	shalt  }
0x54: {  	_ =	shalt  }
0x55: {  	_ =	shalt  }
0x56: {  	_ =	shalt  }
0x57: {  	_ =	shalt  }
0x58: {  	_ =	shalt  }
0x59: {  	_ =	shalt  }
0x5a: {  	_ =	shalt  }
0x5b: {  	_ =	shalt  }
0x5c: {  	_ =	shalt  }
0x5d: {  	_ =	shalt  }
0x5e: {  	_ =	shalt  }
0x5f: {  	_ =	shalt  }
0x60: {  	_ =	shalt  }
0x61: {  	_ =	shalt  }
0x62: {  	_ =	shalt  }
0x63: {  	_ =	shalt  }
0x64: {  	_ =	shalt  }
0x65: {  	_ =	shalt  }
0x66: {  	_ =	shalt  }
0x67: {  	_ =	shalt  }
0x68: {  	_ =	shalt  }
0x69: {  	_ =	shalt  }
0x6a: {  	_ =	shalt  }
0x6b: {  	_ =	shalt  }
0x6c: {  	_ =	shalt  }
0x6d: {  	_ =	shalt  }
0x6e: {  	_ =	shalt  }
0x6f: {  	_ =	shalt  }
0x70: {  	_ =	shalt  }
0x71: {  	_ =	shalt  }
0x72: {  	_ =	shalt  }
0x73: {  	_ =	shalt  }
0x74: {  	_ =	shalt  }
0x75: {  	_ =	shalt  }
0x76: {  	_ =	shalt  }
0x77: {  	_ =	shalt  }
0x78: {  	_ =	shalt  }
0x79: {  	_ =	shalt  }
0x7a: {  	_ =	shalt  }
0x7b: {  	_ =	shalt  }
0x7c: {  	_ =	shalt  }
0x7d: {  	_ =	shalt  }
0x7e: {  	_ =	shalt  }
0x7f: {  	_ =	shalt  }
0x80: {  	_ =	shalt  }
0x81: {  	_ =	shalt  }
0x82: {  	_ =	shalt  }
0x83: {  	_ =	shalt  }
0x84: {  	_ =	shalt  }
0x85: {  	_ =	shalt  }
0x86: {  	_ =	shalt  }
0x87: {  	_ =	shalt  }
.Lfunc_end0:
.L_simem_size_0:
called_computation.1_lowered:
.L_overlay_start_0:
0x88: {  	s2 =	sld [smem:$0x3FD9]  }
0x89: {  	s3 =	sld [smem:$0x3FFE];
	_ =	sdelay $0x1  }
0x8a: {  	s1 =	srdreg.scid  }
0x8b: {  	s0 =	sand.u32 $0x1, s1  }
0x8c: {  	s17 =	sshll.u32 s0, $0xA;
	s2 =	sadd.s32 s3, s2  }
0x8d: {  	s2 =	sadd.s32 s2, s17  }
0x8e: {  	[smem:$0x3FC0] =	sst s2  }
0x8f: {  	_ = 	snop  }
0x90: {  	s2 =	sld [smem:$0x3FD0];
	(tm) =	ssettm $0x1  }
0x91: {  	s18 =	sld [smem:$0x3FFB];
	_ =	sdelay $0x3  }
0x92: {  	_ =	strace s18  }
0x93: {  	s3 =	sld [smem:$0x3FFC];
	_ =	sdelay $0x3  }
0x94: {  	_ =	strace s3  }
0x95: {  	s3 =	sld [smem:$0x3FFD];
	_ =	sdelay $0x3  }
0x96: {  	_ =	strace s3  }
0x97: {  	_ =	strace $0x8FFFFFFF  }
0x98: {  	s19 =	sld [smem:$0x3FDB];
	_ =	sdelay $0x1  }
0x99: {  	s4 =	simm.s32 $_scs_section_size  }
0x9a: {  	s5 =	simm.s32 $_size__tile_overlayer_lowered;
	s6 =	simm.s32 $_tile_overlayer_lowered  }
0x9b: {  	s22 =	simm.s32 $0x1BFF;
	s21 =	sshll.u32 s6, $0x1;
	s3 =	sadd.s32 s4, s19  }
0x9c: {  	s7 =	simm.s32 $0x0;
	s20 =	sshll.u32 s5, $0x1;
	s5 =	sadd.s32 s21, s3  }
0x9d: {  	[timem:s7], [sflag:s22] =	dma.local [hbm:s5], s20  }
0x9e: {  	_ =	swait.ge [sflag:s22], s20  }
0x9f: {  	s4 =	ssub.s32 $0x0, s20;
	[sflag:s22] =	ssyncset.done $0x0  }
0xa0: {  	[sflag:s22] =	ssyncadd.s32 s4;
	_ =	sdelay $0x1  }
0xa1: {  	s23 =	simm.s32 $0x1B8B  }
0xa2: {  	_ =	swait.ge [sflag:s23], $0x1  }
0xa3: {  	[sflag:s23] =	ssyncset.done $0x0  }
0xa4: {  	s25 =	simm.s32 $0x1B8E;
	s24 =	sld [smem:$0x3FFE];
	[sflag:s23] =	ssyncadd.s32 $0xFFFFFFFF  }
0xa5: {  	s26 =	simm.s32 $execute0_lowered;
	[smem:$0x3FD2] =	sst s25  }
0xa6: {  	s5 =	sshll.u32 s26, $0x1;
	_ =	strace $0x80000049;
	[dreg:$0x1] =	wrdreg $0xFFFFFFFF  }
0xa7: {  	s28 =	simm.s32 $_size_execute0_lowered;
	s3 =	sadd.s32 s3, s5;
	[dreg:$0x0] =	wrdreg $0x0  }
0xa8: {  	s5 =	sshll.u32 s28, $0x1;
	[dreg:$0x2] =	wrdreg s3  }
0xa9: {  	[dreg:$0x3] =	wrdreg s5  }
0xaa: {  	[dreg:$0x4] =	wrdreg $0xC0  }
0xab: {  	_ =	task [dreg:s7], $0x5FFFF  }
0xac: {  	[dreg:$0x1] =	wrdreg $0xFFFFFFFF  }
0xad: {  	[dreg:$0x0] =	wrdreg $0x60  }
0xae: {  	[dreg:$0x2] =	wrdreg s24  }
0xaf: {  	[dreg:$0x3] =	wrdreg s2  }
0xb0: {  	[dreg:$0x4] =	wrdreg $0xC6200  }
0xb1: {  	[dreg:$0x5] =	wrdreg $0x9  }
0xb2: {  	_ =	task.clear_ibuf [dreg:s7], $0x6FFFF;
	_ =	strace $0x90000049  }
0xb3: {  	s29 =	simm.s32 $0x9;
	_ =	strace $0x8000004B  }
0xb4: {  	_ =	swait.ge [sflag:s29], $0x1  }
0xb5: {  	[sflag:s29] =	ssyncadd.s32 $0xFFFFFFFF  }
0xb6: {  	_ =	strace $0x9000004B  }
0xb7: {  	_ =	sfence  }
0xb8: {  	s30 =	sld [smem:$0x0];
	_ =	sdelay $0x2  }
0xb9: {  	s31 =	sshll.u32 s1, $0xD;
	s1 =	sshrl.u32 s1, $0x2  }
0xba: {  	s3 =	sand.u32 $0x4000, s31;
	s1 =	sadd.s32 s1, s30  }
0xbb: {  	s0 =	sor.u32 s3, s0;
	s1 =	sshll.u32 s1, $0x11  }
0xbc: {  	s0 =	sor.u32 s1, s0  }
0xbd: {  	s0 =	sadd.s32 $0x8F2B, s0  }
0xbe: {  	[sflag:s0] =	ssyncadd.remote.s32 $0x1  }
0xbf: {  	_ =	sfence.sel $0xFFFF  }
0xc0: {  	[dreg:$0x0] =	wrdreg $0xFFFFFFFF;
	(pc) =	sbr.abs _section_cstart, $3  }
0xc1: {  	[dreg:$0x1] =	wrdreg $0xFFFFFFFF  }
0xc2: {  	_ =	task.clear_ibuf [dreg:s7], $0x2FFFF;
	_ =	strace $0x9FFFFFFF  }
0xc3: {  	(tm) =	ssettm $0x7FFFFFFF  }
tec
execute0_lowered:
.L_overlay_start_1:
0x0: {  	(tag) =	ssettag $0x1  }
0x1: {  	s0 =	rddreg [dreg:$0x0];
	s1 =	srdreg.scid  }
0x2: {  	s5 =	rddreg [dreg:$0x1];
	s12 =	stileid.u32  }
0x3: {  	s2 =	rddreg [dreg:$0x2];
	s3 =	simm.s32 $0x0;
	s15 =	simm.s32 $0x19  }
0x4: {  	s16 =	simm.s32 $0x50;
	s14 =	simm.s32 $0x13;
	s17 =	simm.s32 $0x14  }
0x5: {  	s18 =	simm.s32 $0x15;
	s19 =	simm.s32 $0x16;
	s20 =	simm.s32 $0x17  }
0x6: {  	s21 =	simm.s32 $0x18;
	s22 =	simm.s32 $0xD;
	s23 =	simm.s32 $0xE  }
0x7: {  	s24 =	simm.s32 $0xF;
	s28 =	simm.s32 $0x0;
	s1 =	sand.u32 $0x1, s1  }
0x8: {  	s6 =	smul.u32 $0x4E00, s12;
	[smem:$0x7FF] =	sst s3;
	s9 =	sadd.s32 $0x15800, s0  }
0x9: {  	s29 =	sadd.s32 $0x49200, s2;
	p0 =	seq.s32 s12, $0xF;
	s4 =	sshll.u32 s1, $0x4  }
0xa: {  	_ =	strace $0x8000004A;
	s10 =	ssub.s32 $0x2, s1;
	s1 =	smul.u32 $0x4E200, s1  }
0xb: {  	[dreg:$0x8] =	wrdreg s29;
	s4 =	sor.u32 s12, s4;
	s7 =	sshrl.u32 s6, $0x3  }
0xc: {  	s11 =	sshrl.u32 s10, $0x1;
	s26 =	sadd.s32 s6, s2;
	s8 =	smul.u32 $0x2710, s4  }
0xd: {  	s4 =	sadd.s32 $0x1C00, s0;
	s7 =	sadd.s32 s7, s0;
	s25 =	ssub.s32 s10, s11  }
0xe: {  	[dreg:$0x6] =	wrdreg s26;
	s6 =	sadd.s32 s6, s1;
	s1 =	sshrl.u32 s1, $0x3  }
0xf: {  	s0 =	sadd.s32 $0x14C40, s0;
	s26 =	simm.s32 $0x11;
	s7 =	sadd.s32 $0xBA00, s7  }
0x10: {  	s6 =	sshrl.u32 s6, $0x3;
	s1 =	sadd.s32 s9, s1;
	[dreg:$0x9] =	wrdreg s0  }
.Ltmp0:
0x11: {  	[dreg:$0x7] =	wrdreg s7;
	s30 =	sadd.s32 s9, s6;
	(pc) =	sbr.rel .LBB2_1-.Ltmp0, $4  }
0x12: {  	s8 =	sshrl.u32 s8, $0x3;
	s31 =	sadd.s32 $0x9240, s1;
	[dreg:$0xa] =	wrdreg s30  }
0x13: {  	s13 =	smax.u32 s25, $0x1;
	s8 =	sadd.s32 s5, s8;
	[dreg:$0xb] =	wrdreg s31  }
0x14: {  	s0 =	simm.s32 $0x12;
	[dreg:$0x4] =	wrdreg s8;
	s8 =	sadd.s32 $0x9C40, s8  }
0x15: {  	s25 =	simm.s32 $0x10;
	s1 =	simm.s32 $0x1A;
	[dreg:$0x5] =	wrdreg s8  }
.LBB2_7:
0x16: {  	_ =	swait.ge [sflag:s0], $0xA00  }
0x17: {  	[sflag:s0] =	ssyncset.done $0x0  }
0x18: {  	[sflag:s0] =	ssyncadd.s32 $0xFFFFF600  }
0x19: {  	_ =	swait.ge [sflag:s14], $0xA00  }
0x1a: {  	[sflag:s14] =	ssyncset.done $0x0  }
0x1b: {  	[sflag:s14] =	ssyncadd.s32 $0xFFFFF600  }
0x1c: {  	_ =	swait.ge [sflag:s17], $0xA00  }
0x1d: {  	[sflag:s17] =	ssyncset.done $0x0  }
0x1e: {  	[sflag:s17] =	ssyncadd.s32 $0xFFFFF600  }
0x1f: {  	_ =	swait.ge [sflag:s18], $0xA00  }
0x20: {  	[sflag:s18] =	ssyncset.done $0x0  }
0x21: {  	[sflag:s18] =	ssyncadd.s32 $0xFFFFF600  }
0x22: {  	_ =	swait.ge [sflag:s19], $0xA00  }
0x23: {  	[sflag:s19] =	ssyncset.done $0x0  }
0x24: {  	[sflag:s19] =	ssyncadd.s32 $0xFFFFF600  }
0x25: {  	_ =	swait.ge [sflag:s20], $0xA00  }
0x26: {  	[sflag:s20] =	ssyncset.done $0x0  }
0x27: {  	[sflag:s20] =	ssyncadd.s32 $0xFFFFF600  }
0x28: {  	_ =	swait.ge [sflag:s21], $0xA00  }
0x29: {  	[sflag:s21] =	ssyncset.done $0x0  }
0x2a: {  	[sflag:s21] =	ssyncadd.s32 $0xFFFFF600  }
0x2b: {  	_ =	swait.ge [sflag:s22], $0xA00  }
0x2c: {  	[sflag:s22] =	ssyncset.done $0x0  }
0x2d: {  	[sflag:s22] =	ssyncadd.s32 $0xFFFFF600  }
0x2e: {  	_ =	swait.ge [sflag:s23], $0xA00  }
0x2f: {  	[sflag:s23] =	ssyncset.done $0x0  }
0x30: {  	[sflag:s23] =	ssyncadd.s32 $0xFFFFF600  }
0x31: {  	_ =	swait.ge [sflag:s24], $0xA00  }
0x32: {  	[sflag:s24] =	ssyncset.done $0x0  }
0x33: {  	[sflag:s24] =	ssyncadd.s32 $0xFFFFF600  }
0x34: {  	_ =	swait.ge [sflag:s25], $0xA00  }
0x35: {  	[sflag:s25] =	ssyncset.done $0x0  }
0x36: {  	[sflag:s25] =	ssyncadd.s32 $0xFFFFF600  }
0x37: {  	_ =	swait.ge [sflag:s26], $0xA00  }
0x38: {  	[sflag:s26] =	ssyncset.done $0x0  }
0x39: {  	[sflag:s26] =	ssyncadd.s32 $0xFFFFF600  }
0x3a: {  	[bflag:$0x0] =	sbarrier.arrive $0xFFFF  }
0x3b: {  	s5 =	simm.s32 @p0 $0x1FDB;
	s6 =	rddreg [dreg:$0xb]  }
0x3c: {  	[hbm:s6], [sflag:s5] =	dma.local @p0 [spmem:s29], $0xA00  }
0x3d: {  	s5 =	simm.s32 @p0 $0x1B  }
0x3e: {  	_ =	swait.ge @p0 [sflag:s5], $0xA00  }
0x3f: {  	s28 =	sadd.s32 $0x1, s28;
	[sflag:s5] =	ssyncset.done @p0 $0x0  }
0x40: {  	p1 =	sne.s32 s28, s13;
	[sflag:s5] =	ssyncadd.s32 @p0 $0xFFFFF600;
	s5 =	rddreg [dreg:$0xa]  }
0x41: {  	[hbm:s5], [sflag:s30] =	dma.local @!p0 [spmem:s31], $0x9C0  }
.Ltmp1:
0x42: {  	_ = 	snop;
	(pc) =	sbr.rel @!p1 .LBB2_8-.Ltmp1, $4  }
0x43: {  	s5 =	simm.s32 @!p0 $0x1B  }
0x44: {  	_ =	swait.ge @!p0 [sflag:s5], $0x9C0  }
0x45: {  	[sflag:s5] =	ssyncset.done @!p0 $0x0  }
0x46: {  	[sflag:s5] =	ssyncadd.s32 @!p0 $0xFFFFF640  }
.LBB2_1:
0x47: {  	s5 =	rddreg [dreg:$0x4]  }
0x48: {  	[tilespmem:s3], [sflag:$0x19] =	stream.linear.gather [hbm4b:s5+s3], $0x2710, $0x38;
	[tilespmem:$0x11440] =	vst v63  }
0x49: {  	s11 =	rddreg [dreg:$0x5];
	s6 =	simm.s32 $0x2710  }
0x4a: {  	[tilespmem:s6], [sflag:$0x1A] =	stream.linear.gather [hbm4b:s11+s3], $0x2710, $0x38;
	[tilespmem:$0x11440] =	vst v63  }
0x4b: {  	_ =	swait.ge [sflag:s15], $0x2710  }
0x4c: {  	[sflag:s15] =	ssyncset.done $0x0  }
0x4d: {  	s12 =	simm.s32 $0x4E20;
	[sflag:s15] =	ssyncadd.s32 $0xFFFFD8F0  }
0x4e: {  	[tilespmem:s12], [sflag:$0x1] =	stream.indirect.gather [hbm4b:s4+s16], $0x20, s3, s16, $0xb8;
	[tilespmem:$0x11440] =	vst v63  }
0x4f: {  	s6 =	simm.s32 $0x5820  }
0x50: {  	[tilespmem:s6], [sflag:$0x2] =	stream.indirect.gather [hbm4b:s4+s16], $0x20, s16, s16, $0xb8;
	[tilespmem:$0x11440] =	vst v63  }
0x51: {  	s7 =	simm.s32 $0xA0;
	s8 =	simm.s32 $0x6220  }
0x52: {  	[tilespmem:s8], [sflag:$0x3] =	stream.indirect.gather [hbm4b:s4+s16], $0x20, s7, s16, $0xb8;
	[tilespmem:$0x11440] =	vst v63  }
0x53: {  	s9 =	simm.s32 $0xF0;
	s10 =	simm.s32 $0x6C20  }
0x54: {  	[tilespmem:s10], [sflag:$0x4] =	stream.indirect.gather [hbm4b:s4+s16], $0x20, s9, s16, $0xb8;
	[tilespmem:$0x11440] =	vst v63  }
0x55: {  	s11 =	simm.s32 $0x140;
	s5 =	rddreg [dreg:$0x8];
	s12 =	simm.s32 $0x7620  }
0x56: {  	[tilespmem:s12], [sflag:$0x5] =	stream.indirect.gather [hbm4b:s4+s16], $0x20, s11, s16, $0xb8;
	[tilespmem:$0x11440] =	vst v63  }
0x57: {  	s29 =	sshrl.u32 @p0 s5, $0x3;
	s7 =	simm.s32 $0x190;
	s8 =	simm.s32 $0x8020  }
0x58: {  	[tilespmem:s8], [sflag:$0x6] =	stream.indirect.gather [hbm4b:s4+s16], $0x20, s7, s16, $0xb8;
	[tilespmem:$0x11440] =	vst v63  }
0x59: {  	s5 =	simm.s32 @p0 $0x1FDB;
	s9 =	simm.s32 $0x1E0;
	s10 =	simm.s32 $0x8A20  }
0x5a: {  	[tilespmem:s10], [sflag:$0x7] =	stream.indirect.gather [hbm4b:s4+s16], $0x20, s9, s16, $0xb8;
	[tilespmem:$0x11440] =	vst v63  }
0x5b: {  	s6 =	rddreg [dreg:$0x9];
	s11 =	simm.s32 $0x230;
	s12 =	simm.s32 $0x9420  }
0x5c: {  	[tilespmem:s12], [sflag:$0x8] =	stream.indirect.gather [hbm4b:s4+s16], $0x20, s11, s16, $0xb8;
	[tilespmem:$0x11440] =	vst v63  }
0x5d: {  	[spmem:s29], [sflag:s5] =	dma.local @p0 [hbm:s6], $0xA00  }
0x5e: {  	s5 =	simm.s32 @p0 $0x1B  }
0x5f: {  	_ =	swait.ge @p0 [sflag:s5], $0xA00  }
0x60: {  	s6 =	stileid.u32;
	[sflag:s5] =	ssyncset.done @p0 $0x0  }
0x61: {  	s6 =	sshll.u32 @!p0 s6, $0x6;
	[sflag:s5] =	ssyncadd.s32 @p0 $0xFFFFF600;
	s5 =	rddreg [dreg:$0x6]  }
0x62: {  	s30 =	sor.u32 @!p0 $0x1C1B, s6;
	s31 =	sshrl.u32 @!p0 s5, $0x3;
	s5 =	rddreg [dreg:$0x7]  }
0x63: {  	[spmem:s31], [sflag:s30] =	dma.local @!p0 [hbm:s5], $0x9C0  }
0x64: {  	s5 =	simm.s32 @!p0 $0x1B  }
0x65: {  	_ =	swait.ge @!p0 [sflag:s5], $0x9C0  }
0x66: {  	[sflag:s5] =	ssyncset.done @!p0 $0x0  }
0x67: {  	[sflag:s5] =	ssyncadd.s32 @!p0 $0xFFFFF640  }
.Ltmp2:
0x68: {  	_ =	swait.ge [sflag:s1], $0x2710;
	(pc) =	sbr.rel .LBB2_2-.Ltmp2, $4  }
0x69: {  	[sflag:s1] =	ssyncset.done $0x0  }
0x6a: {  	[sflag:s1] =	ssyncadd.s32 $0xFFFFD8F0  }
0x6b: {  	[bflag:$0x0] =	sbarrier.arrive $0xFFFF  }
0x6c: {  	s7 =	simm.s32 $0x280;
	s8 =	simm.s32 $0x2710;
	s6 =	simm.s32 $0xFFFFFFFC  }
.LBB2_3:
0x6d: {  	s5 =	sadd.s32 $0xD, s9  }
0x6e: {  	_ =	swait.ge [sflag:s5], $0xA00  }
0x6f: {  	[sflag:s5] =	ssyncset.done $0x0  }
0x70: {  	[sflag:s5] =	ssyncadd.s32 $0xFFFFF600  }
.LBB2_5:
0x71: {  	s5 =	smul.u32 $0x2800, s9;
	_ =	sdelay $0x1  }
0x72: {  	s5 =	sshrl.u32 s5, $0x2  }
0x73: {  	s12 =	sadd.s32 $0x1, s9;
	s5 =	sadd.s32 $0x4E20, s5  }
0x74: {  	[tilespmem:s5], [sflag:s12] =	stream.indirect.gather [hbm4b:s4+s16], $0x20, s7, s16, $0xb8;
	[tilespmem:$0x11440] =	vst v63  }
.LBB2_6:
0x75: {  	s6 =	sadd.s32 $0x1, s6  }
0x76: {  	p1 =	sne.s32 s6, $0x79  }
.Ltmp3:
0x77: {  	_ = 	snop;
	(pc) =	sbr.rel @!p1 .LBB2_7-.Ltmp3, $2  }
0x78: {  	_ =	sdelay $0x2  }
0x79: {  	s7 =	sadd.s32 $0x50, s7;
	s8 =	sadd.s32 $0x50, s8  }
.LBB2_2:
0x7a: {  	s9 =	smul.u32 $0xAB, s6;
	_ =	sdelay $0x1  }
0x7b: {  	s5 =	sadd.s32 $0x2AC, s9  }
0x7c: {  	s5 =	sshrl.u32 s5, $0xB  }
0x7d: {  	s5 =	sand.u32 $0x1F, s5  }
0x7e: {  	s9 =	sadd.s32 $0x804, s9;
	s10 =	smul.u32 $0xC, s5  }
0x7f: {  	s9 =	sshrl.u32 s9, $0xB;
	s5 =	sadd.s32 $0x4, s6  }
0x80: {  	s9 =	sand.u32 $0x1F, s9;
	s10 =	ssub.s32 s5, s10  }
0x81: {  	s9 =	smul.u32 $0xC, s9;
	s10 =	sand.u32 $0xFF, s10  }
0x82: {  	p1 =	sgt.u32 s6, $0x70;
	s11 =	smul.u32 $0x2800, s10  }
.Ltmp4:
0x83: {  	s9 =	ssub.s32 s6, s9;
	s12 =	sadd.s32 $0x1, s10;
	(pc) =	sbr.rel @!p1 .LBB2_3-.Ltmp4, $4  }
0x84: {  	s9 =	sadd.s32 $0xC, s9;
	_ =	swait.ge [sflag:s12], $0xA00  }
0x85: {  	s10 =	sadd.s32 $0xD, s10;
	s11 =	sshrl.u32 s11, $0x2;
	[sflag:s12] =	ssyncset.done $0x0  }
0x86: {  	s9 =	sand.u32 $0xFF, s9;
	s11 =	sadd.s32 $0x4E20, s11;
	[sflag:s12] =	ssyncadd.s32 $0xFFFFF600  }
0x87: {  	[spmem:s2] =	stream.indirect.scatter.add.f32 [tilespmem:s11], [sflag:s10], $0x20, s8, s16, $0xb8;
	[tilespmem:$0x11440] =	vst v63  }
0x88: {  	p1 =	sgt.u32 s5, $0x74  }
.Ltmp5:
0x89: {  	_ = 	snop;
	(pc) =	sbr.rel @p1 .LBB2_6-.Ltmp5, $4  }
.Ltmp6:
0x8a: {  	_ = 	snop;
	(pc) =	sbr.rel @!p1 .LBB2_5-.Ltmp6, $4  }
0x8b: {  	_ = 	snop  }
0x8c: {  	_ = 	snop  }
0x8d: {  	_ = 	snop  }
0x8e: {  	_ = 	snop  }
.LBB2_8:
0x8f: {  	_ =	sfence.sel $0x180000  }
0x90: {  	[bflag:$0x0] =	sbarrier.arrive $0xFFFF  }
0x91: {  	_ =	strace $0x9000004A  }
0x92: {  	s0 =	stileid.u32;
	[bflag:$0x2] =	sbarrier.arrive $0xFFFF  }
0x93: {  	p0 =	sne.s32 s0, $0x0;
	s0 =	rddreg [dreg:$0x3]  }
0x94: {  	s0 =	sadd.s32 @!p0 $0x100000, s0  }
0x95: {  	[sflag:s0] =	ssyncadd.tile.s32 @!p0 $0x1;
	_ =	shalt  }
.Lfunc_end2:
_tile_overlayer_lowered:
.L_overlay_start_2:
0x96: {  	(tag) =	ssettag $0x2  }
0x97: {  	s0 =	rddreg [dreg:$0x0];
	s2 =	stileid.u32  }
0x98: {  	s1 =	rddreg [dreg:$0x1];
	p0 =	sne.s32 s2, $0x0  }
0x99: {  	s3 =	rddreg [dreg:$0x2];
	[bflag:$0x3] =	sbarrier.arrive $0xFFFF;
	s2 =	simm.s32 @!p0 $0x1C1B  }
0x9a: {  	[timem:s3], [sflag:s2] =	dma.local @!p0 [hbm:s0], s1  }
0x9b: {  	s0 =	simm.s32 @!p0 $0x1B  }
0x9c: {  	_ =	swait.ge @!p0 [sflag:s0], s1  }
0x9d: {  	s1 =	ssub.s32 @!p0 $0x0, s1;
	[sflag:s0] =	ssyncset.done @!p0 $0x0  }
0x9e: {  	[sflag:s0] =	ssyncadd.s32 @!p0 s1  }
0x9f: {  	[bflag:$0x3] =	sbarrier.arrive $0xFFFF  }
0xa0: {  	_ =	shalt  }

// kernel: kernel.8.cloned.1.call-start
scs
__scs_entry_jumppad:
0x0: {  	(pc) =	sbr.rel $0x88, $3  }
0x1: {  	(tag) =	ssettag $0x0;
	lr =	simm.s32 $0x1  }
0x2: {  	[smem:$0x3F99] =	sst lr;
	_ =	strace $0xD0000000  }
0x3: {  	_ = 	snop  }
0x4: {  	_ = 	snop  }
0x5: {  	_ = 	snop  }
0x6: {  	_ = 	snop  }
0x7: {  	_ = 	snop  }
__scs_overlays_trampoline_lowered:
0x8: {  	[smem:$0x3FA8] =	sst s0  }
0x9: {  	[smem:$0x3FA9] =	sst s1  }
0xa: {  	[smem:$0x3FAA] =	sst s2  }
0xb: {  	[smem:$0x3FAB] =	sst s3  }
0xc: {  	[smem:$0x3FAC] =	sst s4  }
0xd: {  	[smem:$0x3FAD] =	sst s5  }
0xe: {  	[smem:$0x3FAE] =	sst s6  }
0xf: {  	[smem:$0x3FAF] =	sst s7  }
0x10: {  	[smem:$0x3FB0] =	sst s8  }
0x11: {  	[smem:$0x3FB1] =	sst s9;
	s0 =	simm.s32 @!p0 $0x0  }
0x12: {  	s1 =	sld [smem:$0x3F97];
	s0 =	simm.s32 @p0 $0x1  }
0x13: {  	[smem:$0x3FB2] =	sst s0;
	s0 =	simm.s32 @!p1 $0x0  }
0x14: {  	s2 =	sld [smem:$0x3F96];
	s0 =	simm.s32 @p1 $0x1  }
0x15: {  	[smem:$0x3FB3] =	sst s0;
	s0 =	simm.s32 @!p2 $0x0  }
0x16: {  	s3 =	sld [smem:$0x3FDB];
	s0 =	simm.s32 @p2 $0x1  }
0x17: {  	s4 =	simm.s32 $0x1BF5;
	[smem:$0x3FB5] =	sst s0  }
0x18: {  	s0 =	sld [smem:$0x3F98];
	_ =	swait.ge [sflag:s4], $0x0  }
0x19: {  	s7 =	sld [smem:$0x3F99]  }
0x1a: {  	s8 =	sadd.s32 $0xFFFFE003, lr  }
0x1b: {  	s9 =	sadd.s32 $0xFFFFFEF7, lr;
	s5 =	simm.s32 $0xFFFFFFFF;
	p2 =	slt.u32 s8, $0xFFFFF086  }
0x1c: {  	p1 =	slt.u32 s9, $0xF7A;
	s5 =	simm.s32 @!p2 $0x0  }
0x1d: {  	s5 =	simm.s32 @p1 $0x1;
	p0 =	seq.s32 s7, s2  }
0x1e: {  	s7 =	smul.u32 @!p0 $0xF7A, s2;
	p2 =	seq.s32 @!p0 s5, $0x0  }
0x1f: {  	s9 =	smul.u32 $0xF7A, s1;
	s8 =	simm.s32 @!p0 $0x1BF5;
	p2 =	por !p2, p0  }
0x20: {  	[sflag:s8] =	ssyncset.s32 @!p0 $0xFFFFF086;
	s6 =	sadd.s32 @!p0 s3, s7;
	s7 =	simm.s32 @!p0 $0x108  }
0x21: {  	s3 =	sadd.s32 s3, s9;
	s6 =	sadd.s32 @!p0 $0x88, s6;
	s7 =	simm.s32 @p2 $0x1082  }
0x22: {  	[simem:s7], [sflag:s8] =	dma.local @!p0 [hbm:s6], $0xF7A  }
0x23: {  	s9 =	sor.u32 $0xD0000000, s2;
	s6 =	simm.s32 $0x108;
	_ =	swait.ge @!p0 [sflag:s8], $0x0  }
0x24: {  	s3 =	sadd.s32 $0x88, s3;
	s6 =	simm.s32 @!p1 $0x1082;
	[sflag:s4] =	ssyncset.s32 $0xFFFFF086  }
0x25: {  	[simem:s6], [sflag:s4] =	dma.local [hbm:s3], $0xF7A  }
0x26: {  	[smem:$0x3F99] =	sst s1;
	(tag) =	ssettag s2;
	_ =	strace s9  }
0x27: {  	s1 =	sld [smem:$0x3FA9]  }
0x28: {  	s2 =	sld [smem:$0x3FAA]  }
0x29: {  	s4 =	sld [smem:$0x3FAC]  }
0x2a: {  	p0 =	seq.s32 s5, $0x0;
	s5 =	sld [smem:$0x3FAD]  }
0x2b: {  	s6 =	sld [smem:$0x3FAE]  }
0x2c: {  	s7 =	sld [smem:$0x3FAF]  }
0x2d: {  	s3 =	simm.s32 $0x108;
	s8 =	sld [smem:$0x3FB0]  }
0x2e: {  	s3 =	simm.s32 @!p0 $0x1082;
	s9 =	sld [smem:$0x3FB1]  }
0x2f: {  	lr =	sadd.s32 s0, s3;
	s0 =	sld [smem:$0x3FA8]  }
0x30: {  	s3 =	sld [smem:$0x3FAB]  }
0x31: {  	[smem:$0x3FB4] =	sst s10  }
0x32: {  	s10 =	sld [smem:$0x3FB2];
	_ =	sdelay $0x3  }
0x33: {  	p0 =	seq.s32 s10, $0x1;
	s10 =	sld [smem:$0x3FB4];
	_ =	sdelay $0x3  }
0x34: {  	[smem:$0x3FB4] =	sst s10  }
0x35: {  	s10 =	sld [smem:$0x3FB3];
	_ =	sdelay $0x3  }
0x36: {  	p1 =	seq.s32 s10, $0x1;
	s10 =	sld [smem:$0x3FB4];
	_ =	sdelay $0x3  }
0x37: {  	[smem:$0x3FB4] =	sst s10  }
0x38: {  	s10 =	sld [smem:$0x3FB5]  }
0x39: {  	_ = 	snop;
	(pc) =	sbr.ind lr, $3  }
0x3a: {  	_ = 	snop  }
0x3b: {  	_ = 	snop  }
0x3c: {  	p2 =	seq.s32 s10, $0x1;
	s10 =	sld [smem:$0x3FB4]  }
0x3d: {  	_ =	shalt  }
0x3e: {  	_ =	shalt  }
0x3f: {  	_ =	shalt  }
0x40: {  	_ =	shalt  }
0x41: {  	_ =	shalt  }
0x42: {  	_ =	shalt  }
0x43: {  	_ =	shalt  }
0x44: {  	_ =	shalt  }
0x45: {  	_ =	shalt  }
0x46: {  	_ =	shalt  }
0x47: {  	_ =	shalt  }
0x48: {  	_ =	shalt  }
0x49: {  	_ =	shalt  }
0x4a: {  	_ =	shalt  }
0x4b: {  	_ =	shalt  }
0x4c: {  	_ =	shalt  }
0x4d: {  	_ =	shalt  }
0x4e: {  	_ =	shalt  }
0x4f: {  	_ =	shalt  }
0x50: {  	_ =	shalt  }
0x51: {  	_ =	shalt  }
0x52: {  	_ =	shalt  }
0x53: {  	_ =	shalt  }
0x54: {  	_ =	shalt  }
0x55: {  	_ =	shalt  }
0x56: {  	_ =	shalt  }
0x57: {  	_ =	shalt  }
0x58: {  	_ =	shalt  }
0x59: {  	_ =	shalt  }
0x5a: {  	_ =	shalt  }
0x5b: {  	_ =	shalt  }
0x5c: {  	_ =	shalt  }
0x5d: {  	_ =	shalt  }
0x5e: {  	_ =	shalt  }
0x5f: {  	_ =	shalt  }
0x60: {  	_ =	shalt  }
0x61: {  	_ =	shalt  }
0x62: {  	_ =	shalt  }
0x63: {  	_ =	shalt  }
0x64: {  	_ =	shalt  }
0x65: {  	_ =	shalt  }
0x66: {  	_ =	shalt  }
0x67: {  	_ =	shalt  }
0x68: {  	_ =	shalt  }
0x69: {  	_ =	shalt  }
0x6a: {  	_ =	shalt  }
0x6b: {  	_ =	shalt  }
0x6c: {  	_ =	shalt  }
0x6d: {  	_ =	shalt  }
0x6e: {  	_ =	shalt  }
0x6f: {  	_ =	shalt  }
0x70: {  	_ =	shalt  }
0x71: {  	_ =	shalt  }
0x72: {  	_ =	shalt  }
0x73: {  	_ =	shalt  }
0x74: {  	_ =	shalt  }
0x75: {  	_ =	shalt  }
0x76: {  	_ =	shalt  }
0x77: {  	_ =	shalt  }
0x78: {  	_ =	shalt  }
0x79: {  	_ =	shalt  }
0x7a: {  	_ =	shalt  }
0x7b: {  	_ =	shalt  }
0x7c: {  	_ =	shalt  }
0x7d: {  	_ =	shalt  }
0x7e: {  	_ =	shalt  }
0x7f: {  	_ =	shalt  }
0x80: {  	_ =	shalt  }
0x81: {  	_ =	shalt  }
0x82: {  	_ =	shalt  }
0x83: {  	_ =	shalt  }
0x84: {  	_ =	shalt  }
0x85: {  	_ =	shalt  }
0x86: {  	_ =	shalt  }
0x87: {  	_ =	shalt  }
.Lfunc_end0:
.L_simem_size_0:
called_computation_lowered:
.L_overlay_start_0:
0x88: {  	s2 =	sld [smem:$0x3FD9]  }
0x89: {  	s3 =	sld [smem:$0x3FFE];
	_ =	sdelay $0x1  }
0x8a: {  	s1 =	srdreg.scid  }
0x8b: {  	s0 =	sand.u32 $0x1, s1  }
0x8c: {  	s17 =	sshll.u32 s0, $0xA;
	s2 =	sadd.s32 s3, s2  }
0x8d: {  	s2 =	sadd.s32 s2, s17  }
0x8e: {  	[smem:$0x3FC0] =	sst s2  }
0x8f: {  	_ = 	snop  }
0x90: {  	s2 =	sld [smem:$0x3FD0];
	(tm) =	ssettm $0x1  }
0x91: {  	s18 =	sld [smem:$0x3FFB];
	_ =	sdelay $0x3  }
0x92: {  	_ =	strace s18  }
0x93: {  	s3 =	sld [smem:$0x3FFC];
	_ =	sdelay $0x3  }
0x94: {  	_ =	strace s3  }
0x95: {  	s3 =	sld [smem:$0x3FFD];
	_ =	sdelay $0x3  }
0x96: {  	_ =	strace s3  }
0x97: {  	_ =	strace $0x8FFFFFFF  }
0x98: {  	s19 =	sld [smem:$0x3FDB];
	_ =	sdelay $0x1  }
0x99: {  	s4 =	simm.s32 $_scs_section_size  }
0x9a: {  	s5 =	simm.s32 $_size__tile_overlayer_lowered;
	s6 =	simm.s32 $_tile_overlayer_lowered  }
0x9b: {  	s22 =	simm.s32 $0x1BFF;
	s21 =	sshll.u32 s6, $0x1;
	s3 =	sadd.s32 s4, s19  }
0x9c: {  	s7 =	simm.s32 $0x0;
	s20 =	sshll.u32 s5, $0x1;
	s5 =	sadd.s32 s21, s3  }
0x9d: {  	[timem:s7], [sflag:s22] =	dma.local [hbm:s5], s20  }
0x9e: {  	_ =	swait.ge [sflag:s22], s20  }
0x9f: {  	s4 =	ssub.s32 $0x0, s20;
	[sflag:s22] =	ssyncset.done $0x0  }
0xa0: {  	[sflag:s22] =	ssyncadd.s32 s4;
	_ =	sdelay $0x1  }
0xa1: {  	s23 =	simm.s32 $0x1B8B  }
0xa2: {  	_ =	swait.ge [sflag:s23], $0x1  }
0xa3: {  	[sflag:s23] =	ssyncset.done $0x0  }
0xa4: {  	s25 =	simm.s32 $0x1B8E;
	s24 =	sld [smem:$0x3FFE];
	[sflag:s23] =	ssyncadd.s32 $0xFFFFFFFF  }
0xa5: {  	s26 =	simm.s32 $execute0_lowered;
	[smem:$0x3FD2] =	sst s25  }
0xa6: {  	s5 =	sshll.u32 s26, $0x1;
	_ =	strace $0x80000046;
	[dreg:$0x1] =	wrdreg $0xFFFFFFFF  }
0xa7: {  	s28 =	simm.s32 $_size_execute0_lowered;
	s3 =	sadd.s32 s3, s5;
	[dreg:$0x0] =	wrdreg $0x0  }
0xa8: {  	s5 =	sshll.u32 s28, $0x1;
	[dreg:$0x2] =	wrdreg s3  }
0xa9: {  	[dreg:$0x3] =	wrdreg s5  }
0xaa: {  	[dreg:$0x4] =	wrdreg $0xC0  }
0xab: {  	_ =	task [dreg:s7], $0x5FFFF  }
0xac: {  	[dreg:$0x1] =	wrdreg $0xFFFFFFFF  }
0xad: {  	[dreg:$0x0] =	wrdreg $0x60  }
0xae: {  	[dreg:$0x2] =	wrdreg s24  }
0xaf: {  	[dreg:$0x3] =	wrdreg s2  }
0xb0: {  	[dreg:$0x4] =	wrdreg $0xC6200  }
0xb1: {  	[dreg:$0x5] =	wrdreg $0x9  }
0xb2: {  	_ =	task.clear_ibuf [dreg:s7], $0x6FFFF;
	_ =	strace $0x90000046  }
0xb3: {  	s29 =	simm.s32 $0x9;
	_ =	strace $0x80000048  }
0xb4: {  	_ =	swait.ge [sflag:s29], $0x1  }
0xb5: {  	[sflag:s29] =	ssyncadd.s32 $0xFFFFFFFF  }
0xb6: {  	_ =	strace $0x90000048  }
0xb7: {  	_ =	sfence  }
0xb8: {  	s30 =	sld [smem:$0x0];
	_ =	sdelay $0x2  }
0xb9: {  	s31 =	sshll.u32 s1, $0xD;
	s1 =	sshrl.u32 s1, $0x2  }
0xba: {  	s3 =	sand.u32 $0x4000, s31;
	s1 =	sadd.s32 s1, s30  }
0xbb: {  	s0 =	sor.u32 s3, s0;
	s1 =	sshll.u32 s1, $0x11  }
0xbc: {  	s0 =	sor.u32 s1, s0  }
0xbd: {  	s0 =	sadd.s32 $0x8F2B, s0  }
0xbe: {  	[sflag:s0] =	ssyncadd.remote.s32 $0x1  }
0xbf: {  	_ =	sfence.sel $0xFFFF  }
0xc0: {  	[dreg:$0x0] =	wrdreg $0xFFFFFFFF;
	(pc) =	sbr.abs _section_cstart, $3  }
0xc1: {  	[dreg:$0x1] =	wrdreg $0xFFFFFFFF  }
0xc2: {  	_ =	task.clear_ibuf [dreg:s7], $0x2FFFF;
	_ =	strace $0x9FFFFFFF  }
0xc3: {  	(tm) =	ssettm $0x7FFFFFFF  }
tec
execute0_lowered:
.L_overlay_start_1:
0x0: {  	(tag) =	ssettag $0x1  }
0x1: {  	s0 =	rddreg [dreg:$0x0];
	s1 =	srdreg.scid  }
0x2: {  	s5 =	rddreg [dreg:$0x1];
	s12 =	stileid.u32  }
0x3: {  	s2 =	rddreg [dreg:$0x2];
	s3 =	simm.s32 $0x0;
	s15 =	simm.s32 $0x19  }
0x4: {  	s16 =	simm.s32 $0x50;
	s14 =	simm.s32 $0x13;
	s17 =	simm.s32 $0x14  }
0x5: {  	s18 =	simm.s32 $0x15;
	s19 =	simm.s32 $0x16;
	s20 =	simm.s32 $0x17  }
0x6: {  	s21 =	simm.s32 $0x18;
	s22 =	simm.s32 $0xD;
	s23 =	simm.s32 $0xE  }
0x7: {  	s24 =	simm.s32 $0xF;
	s28 =	simm.s32 $0x0;
	s1 =	sand.u32 $0x1, s1  }
0x8: {  	s6 =	smul.u32 $0x4E00, s12;
	[smem:$0x7FF] =	sst s3;
	s9 =	sadd.s32 $0x15800, s0  }
0x9: {  	s29 =	sadd.s32 $0x49200, s2;
	p0 =	seq.s32 s12, $0xF;
	s4 =	sshll.u32 s1, $0x4  }
0xa: {  	_ =	strace $0x80000047;
	s10 =	ssub.s32 $0x2, s1;
	s1 =	smul.u32 $0x4E200, s1  }
0xb: {  	[dreg:$0x8] =	wrdreg s29;
	s4 =	sor.u32 s12, s4;
	s7 =	sshrl.u32 s6, $0x3  }
0xc: {  	s11 =	sshrl.u32 s10, $0x1;
	s26 =	sadd.s32 s6, s2;
	s8 =	smul.u32 $0x2710, s4  }
0xd: {  	s4 =	sadd.s32 $0x1C00, s0;
	s7 =	sadd.s32 s7, s0;
	s25 =	ssub.s32 s10, s11  }
0xe: {  	[dreg:$0x6] =	wrdreg s26;
	s6 =	sadd.s32 s6, s1;
	s1 =	sshrl.u32 s1, $0x3  }
0xf: {  	s0 =	sadd.s32 $0x14C40, s0;
	s26 =	simm.s32 $0x11;
	s7 =	sadd.s32 $0xBA00, s7  }
0x10: {  	s6 =	sshrl.u32 s6, $0x3;
	s1 =	sadd.s32 s9, s1;
	[dreg:$0x9] =	wrdreg s0  }
.Ltmp0:
0x11: {  	[dreg:$0x7] =	wrdreg s7;
	s30 =	sadd.s32 s9, s6;
	(pc) =	sbr.rel .LBB2_1-.Ltmp0, $4  }
0x12: {  	s8 =	sshrl.u32 s8, $0x3;
	s31 =	sadd.s32 $0x9240, s1;
	[dreg:$0xa] =	wrdreg s30  }
0x13: {  	s13 =	smax.u32 s25, $0x1;
	s8 =	sadd.s32 s5, s8;
	[dreg:$0xb] =	wrdreg s31  }
0x14: {  	s0 =	simm.s32 $0x12;
	[dreg:$0x4] =	wrdreg s8;
	s8 =	sadd.s32 $0x9C40, s8  }
0x15: {  	s25 =	simm.s32 $0x10;
	s1 =	simm.s32 $0x1A;
	[dreg:$0x5] =	wrdreg s8  }
.LBB2_7:
0x16: {  	_ =	swait.ge [sflag:s0], $0xA00  }
0x17: {  	[sflag:s0] =	ssyncset.done $0x0  }
0x18: {  	[sflag:s0] =	ssyncadd.s32 $0xFFFFF600  }
0x19: {  	_ =	swait.ge [sflag:s14], $0xA00  }
0x1a: {  	[sflag:s14] =	ssyncset.done $0x0  }
0x1b: {  	[sflag:s14] =	ssyncadd.s32 $0xFFFFF600  }
0x1c: {  	_ =	swait.ge [sflag:s17], $0xA00  }
0x1d: {  	[sflag:s17] =	ssyncset.done $0x0  }
0x1e: {  	[sflag:s17] =	ssyncadd.s32 $0xFFFFF600  }
0x1f: {  	_ =	swait.ge [sflag:s18], $0xA00  }
0x20: {  	[sflag:s18] =	ssyncset.done $0x0  }
0x21: {  	[sflag:s18] =	ssyncadd.s32 $0xFFFFF600  }
0x22: {  	_ =	swait.ge [sflag:s19], $0xA00  }
0x23: {  	[sflag:s19] =	ssyncset.done $0x0  }
0x24: {  	[sflag:s19] =	ssyncadd.s32 $0xFFFFF600  }
0x25: {  	_ =	swait.ge [sflag:s20], $0xA00  }
0x26: {  	[sflag:s20] =	ssyncset.done $0x0  }
0x27: {  	[sflag:s20] =	ssyncadd.s32 $0xFFFFF600  }
0x28: {  	_ =	swait.ge [sflag:s21], $0xA00  }
0x29: {  	[sflag:s21] =	ssyncset.done $0x0  }
0x2a: {  	[sflag:s21] =	ssyncadd.s32 $0xFFFFF600  }
0x2b: {  	_ =	swait.ge [sflag:s22], $0xA00  }
0x2c: {  	[sflag:s22] =	ssyncset.done $0x0  }
0x2d: {  	[sflag:s22] =	ssyncadd.s32 $0xFFFFF600  }
0x2e: {  	_ =	swait.ge [sflag:s23], $0xA00  }
0x2f: {  	[sflag:s23] =	ssyncset.done $0x0  }
0x30: {  	[sflag:s23] =	ssyncadd.s32 $0xFFFFF600  }
0x31: {  	_ =	swait.ge [sflag:s24], $0xA00  }
0x32: {  	[sflag:s24] =	ssyncset.done $0x0  }
0x33: {  	[sflag:s24] =	ssyncadd.s32 $0xFFFFF600  }
0x34: {  	_ =	swait.ge [sflag:s25], $0xA00  }
0x35: {  	[sflag:s25] =	ssyncset.done $0x0  }
0x36: {  	[sflag:s25] =	ssyncadd.s32 $0xFFFFF600  }
0x37: {  	_ =	swait.ge [sflag:s26], $0xA00  }
0x38: {  	[sflag:s26] =	ssyncset.done $0x0  }
0x39: {  	[sflag:s26] =	ssyncadd.s32 $0xFFFFF600  }
0x3a: {  	[bflag:$0x0] =	sbarrier.arrive $0xFFFF  }
0x3b: {  	s5 =	simm.s32 @p0 $0x1FDB;
	s6 =	rddreg [dreg:$0xb]  }
0x3c: {  	[hbm:s6], [sflag:s5] =	dma.local @p0 [spmem:s29], $0xA00  }
0x3d: {  	s5 =	simm.s32 @p0 $0x1B  }
0x3e: {  	_ =	swait.ge @p0 [sflag:s5], $0xA00  }
0x3f: {  	s28 =	sadd.s32 $0x1, s28;
	[sflag:s5] =	ssyncset.done @p0 $0x0  }
0x40: {  	p1 =	sne.s32 s28, s13;
	[sflag:s5] =	ssyncadd.s32 @p0 $0xFFFFF600;
	s5 =	rddreg [dreg:$0xa]  }
0x41: {  	[hbm:s5], [sflag:s30] =	dma.local @!p0 [spmem:s31], $0x9C0  }
.Ltmp1:
0x42: {  	_ = 	snop;
	(pc) =	sbr.rel @!p1 .LBB2_8-.Ltmp1, $4  }
0x43: {  	s5 =	simm.s32 @!p0 $0x1B  }
0x44: {  	_ =	swait.ge @!p0 [sflag:s5], $0x9C0  }
0x45: {  	[sflag:s5] =	ssyncset.done @!p0 $0x0  }
0x46: {  	[sflag:s5] =	ssyncadd.s32 @!p0 $0xFFFFF640  }
.LBB2_1:
0x47: {  	s5 =	rddreg [dreg:$0x4]  }
0x48: {  	[tilespmem:s3], [sflag:$0x19] =	stream.linear.gather [hbm4b:s5+s3], $0x2710, $0x38;
	[tilespmem:$0x11440] =	vst v63  }
0x49: {  	s11 =	rddreg [dreg:$0x5];
	s6 =	simm.s32 $0x2710  }
0x4a: {  	[tilespmem:s6], [sflag:$0x1A] =	stream.linear.gather [hbm4b:s11+s3], $0x2710, $0x38;
	[tilespmem:$0x11440] =	vst v63  }
0x4b: {  	_ =	swait.ge [sflag:s15], $0x2710  }
0x4c: {  	[sflag:s15] =	ssyncset.done $0x0  }
0x4d: {  	s12 =	simm.s32 $0x4E20;
	[sflag:s15] =	ssyncadd.s32 $0xFFFFD8F0  }
0x4e: {  	[tilespmem:s12], [sflag:$0x1] =	stream.indirect.gather [hbm4b:s4+s16], $0x20, s3, s16, $0xb8;
	[tilespmem:$0x11440] =	vst v63  }
0x4f: {  	s6 =	simm.s32 $0x5820  }
0x50: {  	[tilespmem:s6], [sflag:$0x2] =	stream.indirect.gather [hbm4b:s4+s16], $0x20, s16, s16, $0xb8;
	[tilespmem:$0x11440] =	vst v63  }
0x51: {  	s7 =	simm.s32 $0xA0;
	s8 =	simm.s32 $0x6220  }
0x52: {  	[tilespmem:s8], [sflag:$0x3] =	stream.indirect.gather [hbm4b:s4+s16], $0x20, s7, s16, $0xb8;
	[tilespmem:$0x11440] =	vst v63  }
0x53: {  	s9 =	simm.s32 $0xF0;
	s10 =	simm.s32 $0x6C20  }
0x54: {  	[tilespmem:s10], [sflag:$0x4] =	stream.indirect.gather [hbm4b:s4+s16], $0x20, s9, s16, $0xb8;
	[tilespmem:$0x11440] =	vst v63  }
0x55: {  	s11 =	simm.s32 $0x140;
	s5 =	rddreg [dreg:$0x8];
	s12 =	simm.s32 $0x7620  }
0x56: {  	[tilespmem:s12], [sflag:$0x5] =	stream.indirect.gather [hbm4b:s4+s16], $0x20, s11, s16, $0xb8;
	[tilespmem:$0x11440] =	vst v63  }
0x57: {  	s29 =	sshrl.u32 @p0 s5, $0x3;
	s7 =	simm.s32 $0x190;
	s8 =	simm.s32 $0x8020  }
0x58: {  	[tilespmem:s8], [sflag:$0x6] =	stream.indirect.gather [hbm4b:s4+s16], $0x20, s7, s16, $0xb8;
	[tilespmem:$0x11440] =	vst v63  }
0x59: {  	s5 =	simm.s32 @p0 $0x1FDB;
	s9 =	simm.s32 $0x1E0;
	s10 =	simm.s32 $0x8A20  }
0x5a: {  	[tilespmem:s10], [sflag:$0x7] =	stream.indirect.gather [hbm4b:s4+s16], $0x20, s9, s16, $0xb8;
	[tilespmem:$0x11440] =	vst v63  }
0x5b: {  	s6 =	rddreg [dreg:$0x9];
	s11 =	simm.s32 $0x230;
	s12 =	simm.s32 $0x9420  }
0x5c: {  	[tilespmem:s12], [sflag:$0x8] =	stream.indirect.gather [hbm4b:s4+s16], $0x20, s11, s16, $0xb8;
	[tilespmem:$0x11440] =	vst v63  }
0x5d: {  	[spmem:s29], [sflag:s5] =	dma.local @p0 [hbm:s6], $0xA00  }
0x5e: {  	s5 =	simm.s32 @p0 $0x1B  }
0x5f: {  	_ =	swait.ge @p0 [sflag:s5], $0xA00  }
0x60: {  	s6 =	stileid.u32;
	[sflag:s5] =	ssyncset.done @p0 $0x0  }
0x61: {  	s6 =	sshll.u32 @!p0 s6, $0x6;
	[sflag:s5] =	ssyncadd.s32 @p0 $0xFFFFF600;
	s5 =	rddreg [dreg:$0x6]  }
0x62: {  	s30 =	sor.u32 @!p0 $0x1C1B, s6;
	s31 =	sshrl.u32 @!p0 s5, $0x3;
	s5 =	rddreg [dreg:$0x7]  }
0x63: {  	[spmem:s31], [sflag:s30] =	dma.local @!p0 [hbm:s5], $0x9C0  }
0x64: {  	s5 =	simm.s32 @!p0 $0x1B  }
0x65: {  	_ =	swait.ge @!p0 [sflag:s5], $0x9C0  }
0x66: {  	[sflag:s5] =	ssyncset.done @!p0 $0x0  }
0x67: {  	[sflag:s5] =	ssyncadd.s32 @!p0 $0xFFFFF640  }
.Ltmp2:
0x68: {  	_ =	swait.ge [sflag:s1], $0x2710;
	(pc) =	sbr.rel .LBB2_2-.Ltmp2, $4  }
0x69: {  	[sflag:s1] =	ssyncset.done $0x0  }
0x6a: {  	[sflag:s1] =	ssyncadd.s32 $0xFFFFD8F0  }
0x6b: {  	[bflag:$0x0] =	sbarrier.arrive $0xFFFF  }
0x6c: {  	s7 =	simm.s32 $0x280;
	s8 =	simm.s32 $0x2710;
	s6 =	simm.s32 $0xFFFFFFFC  }
.LBB2_3:
0x6d: {  	s5 =	sadd.s32 $0xD, s9  }
0x6e: {  	_ =	swait.ge [sflag:s5], $0xA00  }
0x6f: {  	[sflag:s5] =	ssyncset.done $0x0  }
0x70: {  	[sflag:s5] =	ssyncadd.s32 $0xFFFFF600  }
.LBB2_5:
0x71: {  	s5 =	smul.u32 $0x2800, s9;
	_ =	sdelay $0x1  }
0x72: {  	s5 =	sshrl.u32 s5, $0x2  }
0x73: {  	s12 =	sadd.s32 $0x1, s9;
	s5 =	sadd.s32 $0x4E20, s5  }
0x74: {  	[tilespmem:s5], [sflag:s12] =	stream.indirect.gather [hbm4b:s4+s16], $0x20, s7, s16, $0xb8;
	[tilespmem:$0x11440] =	vst v63  }
.LBB2_6:
0x75: {  	s6 =	sadd.s32 $0x1, s6  }
0x76: {  	p1 =	sne.s32 s6, $0x79  }
.Ltmp3:
0x77: {  	_ = 	snop;
	(pc) =	sbr.rel @!p1 .LBB2_7-.Ltmp3, $2  }
0x78: {  	_ =	sdelay $0x2  }
0x79: {  	s7 =	sadd.s32 $0x50, s7;
	s8 =	sadd.s32 $0x50, s8  }
.LBB2_2:
0x7a: {  	s9 =	smul.u32 $0xAB, s6;
	_ =	sdelay $0x1  }
0x7b: {  	s5 =	sadd.s32 $0x2AC, s9  }
0x7c: {  	s5 =	sshrl.u32 s5, $0xB  }
0x7d: {  	s5 =	sand.u32 $0x1F, s5  }
0x7e: {  	s9 =	sadd.s32 $0x804, s9;
	s10 =	smul.u32 $0xC, s5  }
0x7f: {  	s9 =	sshrl.u32 s9, $0xB;
	s5 =	sadd.s32 $0x4, s6  }
0x80: {  	s9 =	sand.u32 $0x1F, s9;
	s10 =	ssub.s32 s5, s10  }
0x81: {  	s9 =	smul.u32 $0xC, s9;
	s10 =	sand.u32 $0xFF, s10  }
0x82: {  	p1 =	sgt.u32 s6, $0x70;
	s11 =	smul.u32 $0x2800, s10  }
.Ltmp4:
0x83: {  	s9 =	ssub.s32 s6, s9;
	s12 =	sadd.s32 $0x1, s10;
	(pc) =	sbr.rel @!p1 .LBB2_3-.Ltmp4, $4  }
0x84: {  	s9 =	sadd.s32 $0xC, s9;
	_ =	swait.ge [sflag:s12], $0xA00  }
0x85: {  	s10 =	sadd.s32 $0xD, s10;
	s11 =	sshrl.u32 s11, $0x2;
	[sflag:s12] =	ssyncset.done $0x0  }
0x86: {  	s9 =	sand.u32 $0xFF, s9;
	s11 =	sadd.s32 $0x4E20, s11;
	[sflag:s12] =	ssyncadd.s32 $0xFFFFF600  }
0x87: {  	[spmem:s2] =	stream.indirect.scatter.add.f32 [tilespmem:s11], [sflag:s10], $0x20, s8, s16, $0xb8;
	[tilespmem:$0x11440] =	vst v63  }
0x88: {  	p1 =	sgt.u32 s5, $0x74  }
.Ltmp5:
0x89: {  	_ = 	snop;
	(pc) =	sbr.rel @p1 .LBB2_6-.Ltmp5, $4  }
.Ltmp6:
0x8a: {  	_ = 	snop;
	(pc) =	sbr.rel @!p1 .LBB2_5-.Ltmp6, $4  }
0x8b: {  	_ = 	snop  }
0x8c: {  	_ = 	snop  }
0x8d: {  	_ = 	snop  }
0x8e: {  	_ = 	snop  }
.LBB2_8:
0x8f: {  	_ =	sfence.sel $0x180000  }
0x90: {  	[bflag:$0x0] =	sbarrier.arrive $0xFFFF  }
0x91: {  	_ =	strace $0x90000047  }
0x92: {  	s0 =	stileid.u32;
	[bflag:$0x2] =	sbarrier.arrive $0xFFFF  }
0x93: {  	p0 =	sne.s32 s0, $0x0;
	s0 =	rddreg [dreg:$0x3]  }
0x94: {  	s0 =	sadd.s32 @!p0 $0x100000, s0  }
0x95: {  	[sflag:s0] =	ssyncadd.tile.s32 @!p0 $0x1;
	_ =	shalt  }
.Lfunc_end2:
_tile_overlayer_lowered:
.L_overlay_start_2:
0x96: {  	(tag) =	ssettag $0x2  }
0x97: {  	s0 =	rddreg [dreg:$0x0];
	s2 =	stileid.u32  }
0x98: {  	s1 =	rddreg [dreg:$0x1];
	p0 =	sne.s32 s2, $0x0  }
0x99: {  	s3 =	rddreg [dreg:$0x2];
	[bflag:$0x3] =	sbarrier.arrive $0xFFFF;
	s2 =	simm.s32 @!p0 $0x1C1B  }
0x9a: {  	[timem:s3], [sflag:s2] =	dma.local @!p0 [hbm:s0], s1  }
0x9b: {  	s0 =	simm.s32 @!p0 $0x1B  }
0x9c: {  	_ =	swait.ge @!p0 [sflag:s0], s1  }
0x9d: {  	s1 =	ssub.s32 @!p0 $0x0, s1;
	[sflag:s0] =	ssyncset.done @!p0 $0x0  }
0x9e: {  	[sflag:s0] =	ssyncadd.s32 @!p0 s1  }
0x9f: {  	[bflag:$0x3] =	sbarrier.arrive $0xFFFF  }
0xa0: {  	_ =	shalt  }

</sc_bundles>
